<compile_context>
chip_gen: v7x
topology: tpu7x:2x2x1
jax: 0.10.2.dev20260603
libtpu: 0.0.44.dev20260713+nightly
codegen_flags: <defaults>
</compile_context>

<pallas_src>
import functools

import jax
import jax.numpy as jnp
from jax import lax
from jax.experimental import pallas as pl
from jax.experimental.pallas import tpu as pltpu
from jax.experimental.pallas import tpu_sc as plsc

N_W = 2097152
K = 1024
W = 32
NC = 2
NS = 16
L = 16
NW = NC * NS
PER_W = N_W // NW
CH = 32768
N_SUB = PER_W // CH


def _mesh():
    return plsc.VectorSubcoreMesh(
        core_axis_name="c", subcore_axis_name="s", num_cores=NC, num_subcores=NS
    )


@functools.partial(
    pl.kernel,
    out_type=jax.ShapeDtypeStruct((N_W,), jnp.int32),
    mesh=_mesh(),
    scratch_types=[
        pltpu.VMEM((K,), jnp.float32),
        pltpu.VMEM((K,), jnp.int32),
        pltpu.VMEM((CH,), jnp.float32),
        pltpu.VMEM((CH,), jnp.int32),
    ],
    compiler_params=pltpu.CompilerParams(needs_layout_passes=False),
)
def _vq_kernel(w_hbm, csort_hbm, order_hbm, out_hbm, csort_v, order_v, xbuf, obuf):
    wid = lax.axis_index("s") * NC + lax.axis_index("c")
    pltpu.sync_copy(csort_hbm, csort_v)
    pltpu.sync_copy(order_hbm, order_v)

    def group_body(g, _):
        x = xbuf[pl.ds(g * L, L)]
        xs = x * x

        lo = jnp.zeros((L,), jnp.int32)
        for half in (512, 256, 128, 64, 32, 16, 8, 4, 2, 1):
            cv = plsc.load_gather(csort_v, [lo + (half - 1)])
            lo = jnp.where(cv <= x, lo + half, lo)
        start = jnp.clip(lo - (W // 2 - 1), 0, K - W)

        bd = jnp.full((L,), jnp.inf, jnp.float32)
        borig = jnp.full((L,), jnp.int32(1 << 30), jnp.int32)
        for w in range(W):
            cidx = start + w
            c = plsc.load_gather(csort_v, [cidx])
            og = plsc.load_gather(order_v, [cidx])
            t = x * c
            u = xs - 2.0 * t
            d = u + c * c
            take = (d < bd) | ((d == bd) & (og < borig))
            bd = jnp.where(take, d, bd)
            borig = jnp.where(take, og, borig)

        obuf[pl.ds(g * L, L)] = borig
        return 0

    for sub in range(N_SUB):
        base = wid * PER_W + sub * CH
        pltpu.sync_copy(w_hbm.at[pl.ds(base, CH)], xbuf)
        lax.fori_loop(0, CH // L, group_body, 0)
        pltpu.sync_copy(obuf, out_hbm.at[pl.ds(base, CH)])


def kernel(weights_dict, y, codebook):
    c = codebook[:, 0]
    order = jnp.argsort(c).astype(jnp.int32)
    csort = c[order]
    indices = _vq_kernel(weights_dict, csort, order)
    return indices, y

# --- scband reference (transcript-rebuilt; emitter-appended) ---
"""Pipeline reference for scband-token-transform3-d-22342419873946 (READ-ONLY COPY).

The authoritative reference and input builder live on the scoring server;
editing this copy changes nothing except your own understanding.
"""

import jax, jax.numpy as jnp
import numpy as np

N_WEIGHTS = 2097152
CODEBOOK_SIZE = 1024
CODE_DIM = 1


def setup_inputs(seed: int = 0) -> dict:
    key = jax.random.key(seed)
    k1, k2, k3 = jax.random.split(key, 3)
    weights_dict = jax.random.normal(k1, (N_WEIGHTS,), dtype=jnp.float32)
    y = jax.random.randint(k2, (1,), 0, 10, dtype=jnp.int64)
    codebook = jax.random.normal(k3, (CODEBOOK_SIZE, CODE_DIM), dtype=jnp.float32)
    return {"weights_dict": weights_dict, "y": y, "codebook": codebook}


def reference(weights_dict, y, codebook):
    # FlattenTransform3D: weights_dict here is already the flattened 1-D weight vector.
    weights = weights_dict
    # vq forward with frozen codebook: x shape [N, 1] (unsqueeze(-1)), dim=1.
    x = weights[:, None]  # [N, CODE_DIM]
    # Euclidean distance to each code: ||x - c||^2 = ||x||^2 - 2 x.c + ||c||^2
    x_sq = jnp.sum(x * x, axis=-1, keepdims=True)            # [N, 1]
    c_sq = jnp.sum(codebook * codebook, axis=-1)[None, :]    # [1, K]
    dots = x @ codebook.T                                    # [N, K]
    dist = x_sq - 2.0 * dots + c_sq                          # [N, K]
    indices = jnp.argmin(dist, axis=-1)                      # [N]
    quantized = jnp.take(codebook, indices, axis=0)          # [N, CODE_DIM]
    # commit loss (computed but not returned by TokenTransform3D.forward)
    commit_loss = jnp.mean((quantized - x) ** 2)
    # straight-through quantized output _x (unused by module but computed)
    _x = x + jax.lax.stop_gradient(quantized - x)
    del _x, commit_loss
    return (indices, y)

if __name__ == "__main__":
    import jax
    _d = setup_inputs()
    print(jax.jit(kernel)(*tuple(_d.values())))

</pallas_src>

<mosaic_0001>
#map = affine_map<(d0, d1) -> (0)>
module attributes {stable_mosaic.version = 14 : i64} {
  func.func @_vq_kernel(%arg0: i32, %arg1: i32, %arg2: memref<2097152xf32, #tpu.memory_space<hbm>>, %arg3: memref<1024xf32, #tpu.memory_space<hbm>>, %arg4: memref<1024xi32, #tpu.memory_space<hbm>>, %arg5: memref<2097152xi32, #tpu.memory_space<hbm>>, %arg6: memref<1024xf32, #tpu.memory_space<vmem>>, %arg7: memref<1024xi32, #tpu.memory_space<vmem>>, %arg8: memref<32768xf32, #tpu.memory_space<vmem>>, %arg9: memref<32768xi32, #tpu.memory_space<vmem>>) attributes {dimension_semantics = [#tpu.dimension_semantics<core_parallel>, #tpu.dimension_semantics<subcore_parallel>], iteration_bounds = array<i64: 2, 16>, scalar_prefetch = 0 : i64, scratch_operands = 4 : i64, tpu.core_type = #tpu.core_type<sc_vector_subcore>, window_params = [{transform_indices = #map}, {transform_indices = #map}, {transform_indices = #map}, {transform_indices = #map}]} {
    %mul3A = arith.constant 2 : i32
    %mul3A_0 = arith.muli %arg1, %mul3A : i32
    %add3A = arith.addi %mul3A_0, %arg0 : i32
    "tpu.region"() ({
      %run_scoped3A = tpu.sem_alloc : memref<!tpu.dma_semaphore, #tpu.memory_space<semaphore_mem>>
      tpu.enqueue_dma source(%arg3 : memref<1024xf32, #tpu.memory_space<hbm>>) target(%arg6 : memref<1024xf32, #tpu.memory_space<vmem>>) target_semaphore(%run_scoped3A : memref<!tpu.dma_semaphore, #tpu.memory_space<semaphore_mem>>)
      tpu.wait_dma2 semaphore(%run_scoped3A : memref<!tpu.dma_semaphore, #tpu.memory_space<semaphore_mem>>) src(%arg3 : memref<1024xf32, #tpu.memory_space<hbm>>) dst(%arg6 : memref<1024xf32, #tpu.memory_space<vmem>>)
      tpu.yield
    }) : () -> ()
    "tpu.region"() ({
      %run_scoped3A = tpu.sem_alloc : memref<!tpu.dma_semaphore, #tpu.memory_space<semaphore_mem>>
      tpu.enqueue_dma source(%arg4 : memref<1024xi32, #tpu.memory_space<hbm>>) target(%arg7 : memref<1024xi32, #tpu.memory_space<vmem>>) target_semaphore(%run_scoped3A : memref<!tpu.dma_semaphore, #tpu.memory_space<semaphore_mem>>)
      tpu.wait_dma2 semaphore(%run_scoped3A : memref<!tpu.dma_semaphore, #tpu.memory_space<semaphore_mem>>) src(%arg4 : memref<1024xi32, #tpu.memory_space<hbm>>) dst(%arg7 : memref<1024xi32, #tpu.memory_space<vmem>>)
      tpu.yield
    }) : () -> ()
    %mul3A_1 = arith.constant 65536 : i32
    %mul3A_2 = arith.muli %add3A, %mul3A_1 : i32
    %add3A_3 = arith.constant 0 : i32
    %add3A_4 = arith.addi %mul3A_2, %add3A_3 : i32
    "tpu.region"() ({
      %run_scoped3A = tpu.sem_alloc : memref<!tpu.dma_semaphore, #tpu.memory_space<semaphore_mem>>
      %dma_start3A = tpu.memref_slice %arg2[%add3A_4] : memref<2097152xf32, #tpu.memory_space<hbm>> -> memref<32768xf32, #tpu.memory_space<hbm>>
      %dma_start3A_22 = tpu.memref_slice %arg2[%add3A_4] : memref<2097152xf32, #tpu.memory_space<hbm>> -> memref<32768xf32, #tpu.memory_space<hbm>>
      tpu.enqueue_dma source(%dma_start3A_22 : memref<32768xf32, #tpu.memory_space<hbm>>) target(%arg8 : memref<32768xf32, #tpu.memory_space<vmem>>) target_semaphore(%run_scoped3A : memref<!tpu.dma_semaphore, #tpu.memory_space<semaphore_mem>>)
      %dma_wait3A = tpu.memref_slice %arg2[%add3A_4] : memref<2097152xf32, #tpu.memory_space<hbm>> -> memref<32768xf32, #tpu.memory_space<hbm>>
      %dma_wait3A_23 = tpu.memref_slice %arg2[%add3A_4] : memref<2097152xf32, #tpu.memory_space<hbm>> -> memref<32768xf32, #tpu.memory_space<hbm>>
      tpu.wait_dma2 semaphore(%run_scoped3A : memref<!tpu.dma_semaphore, #tpu.memory_space<semaphore_mem>>) src(%dma_wait3A_23 : memref<32768xf32, #tpu.memory_space<hbm>>) dst(%arg8 : memref<32768xf32, #tpu.memory_space<vmem>>)
      tpu.yield
    }) : () -> ()
    %scan3A = arith.constant 0 : i32
    %scan3A_5 = arith.constant 0 : i32
    %scan3A_6 = arith.constant 2048 : i32
    %scan3A_7 = arith.addi %scan3A_5, %scan3A_6 : i32
    %scan3A_8 = arith.constant 1 : i32
    %scan3A_9 = scf.for %scan3A_22 = %scan3A_5 to %scan3A_7 step %scan3A_8 iter_args(%scan3A_23 = %scan3A) -> (i32)  : i32 {
      %mul3A_24 = arith.constant 16 : i32
      %mul3A_25 = arith.muli %scan3A_22, %mul3A_24 : i32
      %get3A = arith.index_cast %mul3A_25 : i32 to index
      %get3A_26 = tpu.vector_load %arg8[%get3A] {strides = array<i32>} : memref<32768xf32, #tpu.memory_space<vmem>>, vector<16xf32>,
      %mul3A_27 = arith.mulf %get3A_26, %get3A_26 : vector<16xf32>
      %broadcast_in_dim3A = arith.constant 0 : i32
      %broadcast_in_dim3A_28 = vector.broadcast %broadcast_in_dim3A : i32 to vector<16xi32>
      %add3A_29 = arith.constant 511 : i32
      %add3A_30 = vector.broadcast %add3A_29 : i32 to vector<16xi32>
      %add3A_31 = arith.addi %broadcast_in_dim3A_28, %add3A_30 : vector<16xi32>
      %gather3A = tpu.vector_load_idx %arg6[%add3A_31] : memref<1024xf32, #tpu.memory_space<vmem>>[vector<16xi32>], vector<16xf32>,
      %le3A = arith.cmpf ole, %gather3A, %get3A_26 : vector<16xf32>
      %add3A_32 = arith.constant 512 : i32
      %add3A_33 = vector.broadcast %add3A_32 : i32 to vector<16xi32>
      %add3A_34 = arith.addi %broadcast_in_dim3A_28, %add3A_33 : vector<16xi32>
      %select_n3A = arith.select %le3A, %add3A_34, %broadcast_in_dim3A_28 : vector<16xi1>, vector<16xi32>
      %add3A_35 = arith.constant 255 : i32
      %add3A_36 = vector.broadcast %add3A_35 : i32 to vector<16xi32>
      %add3A_37 = arith.addi %select_n3A, %add3A_36 : vector<16xi32>
      %gather3A_38 = tpu.vector_load_idx %arg6[%add3A_37] : memref<1024xf32, #tpu.memory_space<vmem>>[vector<16xi32>], vector<16xf32>,
      %le3A_39 = arith.cmpf ole, %gather3A_38, %get3A_26 : vector<16xf32>
      %add3A_40 = arith.constant 256 : i32
      %add3A_41 = vector.broadcast %add3A_40 : i32 to vector<16xi32>
      %add3A_42 = arith.addi %select_n3A, %add3A_41 : vector<16xi32>
      %select_n3A_43 = arith.select %le3A_39, %add3A_42, %select_n3A : vector<16xi1>, vector<16xi32>
      %add3A_44 = arith.constant 127 : i32
      %add3A_45 = vector.broadcast %add3A_44 : i32 to vector<16xi32>
      %add3A_46 = arith.addi %select_n3A_43, %add3A_45 : vector<16xi32>
      %gather3A_47 = tpu.vector_load_idx %arg6[%add3A_46] : memref<1024xf32, #tpu.memory_space<vmem>>[vector<16xi32>], vector<16xf32>,
      %le3A_48 = arith.cmpf ole, %gather3A_47, %get3A_26 : vector<16xf32>
      %add3A_49 = arith.constant 128 : i32
      %add3A_50 = vector.broadcast %add3A_49 : i32 to vector<16xi32>
      %add3A_51 = arith.addi %select_n3A_43, %add3A_50 : vector<16xi32>
      %select_n3A_52 = arith.select %le3A_48, %add3A_51, %select_n3A_43 : vector<16xi1>, vector<16xi32>
      %add3A_53 = arith.constant 63 : i32
      %add3A_54 = vector.broadcast %add3A_53 : i32 to vector<16xi32>
      %add3A_55 = arith.addi %select_n3A_52, %add3A_54 : vector<16xi32>
      %gather3A_56 = tpu.vector_load_idx %arg6[%add3A_55] : memref<1024xf32, #tpu.memory_space<vmem>>[vector<16xi32>], vector<16xf32>,
      %le3A_57 = arith.cmpf ole, %gather3A_56, %get3A_26 : vector<16xf32>
      %add3A_58 = arith.constant 64 : i32
      %add3A_59 = vector.broadcast %add3A_58 : i32 to vector<16xi32>
      %add3A_60 = arith.addi %select_n3A_52, %add3A_59 : vector<16xi32>
      %select_n3A_61 = arith.select %le3A_57, %add3A_60, %select_n3A_52 : vector<16xi1>, vector<16xi32>
      %add3A_62 = arith.constant 31 : i32
      %add3A_63 = vector.broadcast %add3A_62 : i32 to vector<16xi32>
      %add3A_64 = arith.addi %select_n3A_61, %add3A_63 : vector<16xi32>
      %gather3A_65 = tpu.vector_load_idx %arg6[%add3A_64] : memref<1024xf32, #tpu.memory_space<vmem>>[vector<16xi32>], vector<16xf32>,
      %le3A_66 = arith.cmpf ole, %gather3A_65, %get3A_26 : vector<16xf32>
      %add3A_67 = arith.constant 32 : i32
      %add3A_68 = vector.broadcast %add3A_67 : i32 to vector<16xi32>
      %add3A_69 = arith.addi %select_n3A_61, %add3A_68 : vector<16xi32>
      %select_n3A_70 = arith.select %le3A_66, %add3A_69, %select_n3A_61 : vector<16xi1>, vector<16xi32>
      %add3A_71 = arith.constant 15 : i32
      %add3A_72 = vector.broadcast %add3A_71 : i32 to vector<16xi32>
      %add3A_73 = arith.addi %select_n3A_70, %add3A_72 : vector<16xi32>
      %gather3A_74 = tpu.vector_load_idx %arg6[%add3A_73] : memref<1024xf32, #tpu.memory_space<vmem>>[vector<16xi32>], vector<16xf32>,
      %le3A_75 = arith.cmpf ole, %gather3A_74, %get3A_26 : vector<16xf32>
      %add3A_76 = arith.constant 16 : i32
      %add3A_77 = vector.broadcast %add3A_76 : i32 to vector<16xi32>
      %add3A_78 = arith.addi %select_n3A_70, %add3A_77 : vector<16xi32>
      %select_n3A_79 = arith.select %le3A_75, %add3A_78, %select_n3A_70 : vector<16xi1>, vector<16xi32>
      %add3A_80 = arith.constant 7 : i32
      %add3A_81 = vector.broadcast %add3A_80 : i32 to vector<16xi32>
      %add3A_82 = arith.addi %select_n3A_79, %add3A_81 : vector<16xi32>
      %gather3A_83 = tpu.vector_load_idx %arg6[%add3A_82] : memref<1024xf32, #tpu.memory_space<vmem>>[vector<16xi32>], vector<16xf32>,
      %le3A_84 = arith.cmpf ole, %gather3A_83, %get3A_26 : vector<16xf32>
      %add3A_85 = arith.constant 8 : i32
      %add3A_86 = vector.broadcast %add3A_85 : i32 to vector<16xi32>
      %add3A_87 = arith.addi %select_n3A_79, %add3A_86 : vector<16xi32>
      %select_n3A_88 = arith.select %le3A_84, %add3A_87, %select_n3A_79 : vector<16xi1>, vector<16xi32>
      %add3A_89 = arith.constant 3 : i32
      %add3A_90 = vector.broadcast %add3A_89 : i32 to vector<16xi32>
      %add3A_91 = arith.addi %select_n3A_88, %add3A_90 : vector<16xi32>
      %gather3A_92 = tpu.vector_load_idx %arg6[%add3A_91] : memref<1024xf32, #tpu.memory_space<vmem>>[vector<16xi32>], vector<16xf32>,
      %le3A_93 = arith.cmpf ole, %gather3A_92, %get3A_26 : vector<16xf32>
      %add3A_94 = arith.constant 4 : i32
      %add3A_95 = vector.broadcast %add3A_94 : i32 to vector<16xi32>
      %add3A_96 = arith.addi %select_n3A_88, %add3A_95 : vector<16xi32>
      %select_n3A_97 = arith.select %le3A_93, %add3A_96, %select_n3A_88 : vector<16xi1>, vector<16xi32>
      %add3A_98 = arith.constant 1 : i32
      %add3A_99 = vector.broadcast %add3A_98 : i32 to vector<16xi32>
      %add3A_100 = arith.addi %select_n3A_97, %add3A_99 : vector<16xi32>
      %gather3A_101 = tpu.vector_load_idx %arg6[%add3A_100] : memref<1024xf32, #tpu.memory_space<vmem>>[vector<16xi32>], vector<16xf32>,
      %le3A_102 = arith.cmpf ole, %gather3A_101, %get3A_26 : vector<16xf32>
      %add3A_103 = arith.constant 2 : i32
      %add3A_104 = vector.broadcast %add3A_103 : i32 to vector<16xi32>
      %add3A_105 = arith.addi %select_n3A_97, %add3A_104 : vector<16xi32>
      %select_n3A_106 = arith.select %le3A_102, %add3A_105, %select_n3A_97 : vector<16xi1>, vector<16xi32>
      %add3A_107 = arith.constant 0 : i32
      %add3A_108 = vector.broadcast %add3A_107 : i32 to vector<16xi32>
      %add3A_109 = arith.addi %select_n3A_106, %add3A_108 : vector<16xi32>
      %gather3A_110 = tpu.vector_load_idx %arg6[%add3A_109] : memref<1024xf32, #tpu.memory_space<vmem>>[vector<16xi32>], vector<16xf32>,
      %le3A_111 = arith.cmpf ole, %gather3A_110, %get3A_26 : vector<16xf32>
      %add3A_112 = arith.constant 1 : i32
      %add3A_113 = vector.broadcast %add3A_112 : i32 to vector<16xi32>
      %add3A_114 = arith.addi %select_n3A_106, %add3A_113 : vector<16xi32>
      %select_n3A_115 = arith.select %le3A_111, %add3A_114, %select_n3A_106 : vector<16xi1>, vector<16xi32>
      %sub3A = arith.constant 15 : i32
      %sub3A_116 = vector.broadcast %sub3A : i32 to vector<16xi32>
      %sub3A_117 = arith.subi %select_n3A_115, %sub3A_116 : vector<16xi32>
      %jit3A = arith.constant 0 : i32
      %jit3A_118 = arith.constant 992 : i32
      %max3A = vector.broadcast %jit3A : i32 to vector<16xi32>
      %max3A_119 = arith.maxsi %max3A, %sub3A_117 : vector<16xi32>
      %min3A = vector.broadcast %jit3A_118 : i32 to vector<16xi32>
      %min3A_120 = arith.minsi %min3A, %max3A_119 : vector<16xi32>
      %broadcast_in_dim3A_121 = arith.constant 0x7F800000 : f32
      %broadcast_in_dim3A_122 = vector.broadcast %broadcast_in_dim3A_121 : f32 to vector<16xf32>
      %broadcast_in_dim3A_123 = arith.constant 1073741824 : i32
      %broadcast_in_dim3A_124 = vector.broadcast %broadcast_in_dim3A_123 : i32 to vector<16xi32>
      %add3A_125 = arith.constant 0 : i32
      %add3A_126 = vector.broadcast %add3A_125 : i32 to vector<16xi32>
      %add3A_127 = arith.addi %min3A_120, %add3A_126 : vector<16xi32>
      %gather3A_128 = tpu.vector_load_idx %arg6[%add3A_127] : memref<1024xf32, #tpu.memory_space<vmem>>[vector<16xi32>], vector<16xf32>,
      %gather3A_129 = tpu.vector_load_idx %arg7[%add3A_127] : memref<1024xi32, #tpu.memory_space<vmem>>[vector<16xi32>], vector<16xi32>,
      %mul3A_130 = arith.mulf %get3A_26, %gather3A_128 : vector<16xf32>
      %mul3A_131 = arith.constant 2.000000e+00 : f32
      %mul3A_132 = vector.broadcast %mul3A_131 : f32 to vector<16xf32>
      %mul3A_133 = arith.mulf %mul3A_132, %mul3A_130 : vector<16xf32>
      %sub3A_134 = arith.subf %mul3A_27, %mul3A_133 : vector<16xf32>
      %mul3A_135 = arith.mulf %gather3A_128, %gather3A_128 : vector<16xf32>
      %add3A_136 = arith.addf %sub3A_134, %mul3A_135 : vector<16xf32>
      %lt3A = arith.cmpf olt, %add3A_136, %broadcast_in_dim3A_122 : vector<16xf32>
      %eq3A = arith.cmpf oeq, %add3A_136, %broadcast_in_dim3A_122 : vector<16xf32>
      %lt3A_137 = arith.cmpi slt, %gather3A_129, %broadcast_in_dim3A_124 : vector<16xi32>
      %and3A = arith.andi %eq3A, %lt3A_137 : vector<16xi1>
      %or3A = arith.ori %lt3A, %and3A : vector<16xi1>
      %select_n3A_138 = arith.select %or3A, %add3A_136, %broadcast_in_dim3A_122 : vector<16xi1>, vector<16xf32>
      %select_n3A_139 = arith.select %or3A, %gather3A_129, %broadcast_in_dim3A_124 : vector<16xi1>, vector<16xi32>
      %add3A_140 = arith.constant 1 : i32
      %add3A_141 = vector.broadcast %add3A_140 : i32 to vector<16xi32>
      %add3A_142 = arith.addi %min3A_120, %add3A_141 : vector<16xi32>
      %gather3A_143 = tpu.vector_load_idx %arg6[%add3A_142] : memref<1024xf32, #tpu.memory_space<vmem>>[vector<16xi32>], vector<16xf32>,
      %gather3A_144 = tpu.vector_load_idx %arg7[%add3A_142] : memref<1024xi32, #tpu.memory_space<vmem>>[vector<16xi32>], vector<16xi32>,
      %mul3A_145 = arith.mulf %get3A_26, %gather3A_143 : vector<16xf32>
      %mul3A_146 = arith.constant 2.000000e+00 : f32
      %mul3A_147 = vector.broadcast %mul3A_146 : f32 to vector<16xf32>
      %mul3A_148 = arith.mulf %mul3A_147, %mul3A_145 : vector<16xf32>
      %sub3A_149 = arith.subf %mul3A_27, %mul3A_148 : vector<16xf32>
      %mul3A_150 = arith.mulf %gather3A_143, %gather3A_143 : vector<16xf32>
      %add3A_151 = arith.addf %sub3A_149, %mul3A_150 : vector<16xf32>
      %lt3A_152 = arith.cmpf olt, %add3A_151, %select_n3A_138 : vector<16xf32>
      %eq3A_153 = arith.cmpf oeq, %add3A_151, %select_n3A_138 : vector<16xf32>
      %lt3A_154 = arith.cmpi slt, %gather3A_144, %select_n3A_139 : vector<16xi32>
      %and3A_155 = arith.andi %eq3A_153, %lt3A_154 : vector<16xi1>
      %or3A_156 = arith.ori %lt3A_152, %and3A_155 : vector<16xi1>
      %select_n3A_157 = arith.select %or3A_156, %add3A_151, %select_n3A_138 : vector<16xi1>, vector<16xf32>
      %select_n3A_158 = arith.select %or3A_156, %gather3A_144, %select_n3A_139 : vector<16xi1>, vector<16xi32>
      %add3A_159 = arith.constant 2 : i32
      %add3A_160 = vector.broadcast %add3A_159 : i32 to vector<16xi32>
      %add3A_161 = arith.addi %min3A_120, %add3A_160 : vector<16xi32>
      %gather3A_162 = tpu.vector_load_idx %arg6[%add3A_161] : memref<1024xf32, #tpu.memory_space<vmem>>[vector<16xi32>], vector<16xf32>,
      %gather3A_163 = tpu.vector_load_idx %arg7[%add3A_161] : memref<1024xi32, #tpu.memory_space<vmem>>[vector<16xi32>], vector<16xi32>,
      %mul3A_164 = arith.mulf %get3A_26, %gather3A_162 : vector<16xf32>
      %mul3A_165 = arith.constant 2.000000e+00 : f32
      %mul3A_166 = vector.broadcast %mul3A_165 : f32 to vector<16xf32>
      %mul3A_167 = arith.mulf %mul3A_166, %mul3A_164 : vector<16xf32>
      %sub3A_168 = arith.subf %mul3A_27, %mul3A_167 : vector<16xf32>
      %mul3A_169 = arith.mulf %gather3A_162, %gather3A_162 : vector<16xf32>
      %add3A_170 = arith.addf %sub3A_168, %mul3A_169 : vector<16xf32>
      %lt3A_171 = arith.cmpf olt, %add3A_170, %select_n3A_157 : vector<16xf32>
      %eq3A_172 = arith.cmpf oeq, %add3A_170, %select_n3A_157 : vector<16xf32>
      %lt3A_173 = arith.cmpi slt, %gather3A_163, %select_n3A_158 : vector<16xi32>
      %and3A_174 = arith.andi %eq3A_172, %lt3A_173 : vector<16xi1>
      %or3A_175 = arith.ori %lt3A_171, %and3A_174 : vector<16xi1>
      %select_n3A_176 = arith.select %or3A_175, %add3A_170, %select_n3A_157 : vector<16xi1>, vector<16xf32>
      %select_n3A_177 = arith.select %or3A_175, %gather3A_163, %select_n3A_158 : vector<16xi1>, vector<16xi32>
      %add3A_178 = arith.constant 3 : i32
      %add3A_179 = vector.broadcast %add3A_178 : i32 to vector<16xi32>
      %add3A_180 = arith.addi %min3A_120, %add3A_179 : vector<16xi32>
      %gather3A_181 = tpu.vector_load_idx %arg6[%add3A_180] : memref<1024xf32, #tpu.memory_space<vmem>>[vector<16xi32>], vector<16xf32>,
      %gather3A_182 = tpu.vector_load_idx %arg7[%add3A_180] : memref<1024xi32, #tpu.memory_space<vmem>>[vector<16xi32>], vector<16xi32>,
      %mul3A_183 = arith.mulf %get3A_26, %gather3A_181 : vector<16xf32>
      %mul3A_184 = arith.constant 2.000000e+00 : f32
      %mul3A_185 = vector.broadcast %mul3A_184 : f32 to vector<16xf32>
      %mul3A_186 = arith.mulf %mul3A_185, %mul3A_183 : vector<16xf32>
      %sub3A_187 = arith.subf %mul3A_27, %mul3A_186 : vector<16xf32>
      %mul3A_188 = arith.mulf %gather3A_181, %gather3A_181 : vector<16xf32>
      %add3A_189 = arith.addf %sub3A_187, %mul3A_188 : vector<16xf32>
      %lt3A_190 = arith.cmpf olt, %add3A_189, %select_n3A_176 : vector<16xf32>
      %eq3A_191 = arith.cmpf oeq, %add3A_189, %select_n3A_176 : vector<16xf32>
      %lt3A_192 = arith.cmpi slt, %gather3A_182, %select_n3A_177 : vector<16xi32>
      %and3A_193 = arith.andi %eq3A_191, %lt3A_192 : vector<16xi1>
      %or3A_194 = arith.ori %lt3A_190, %and3A_193 : vector<16xi1>
      %select_n3A_195 = arith.select %or3A_194, %add3A_189, %select_n3A_176 : vector<16xi1>, vector<16xf32>
      %select_n3A_196 = arith.select %or3A_194, %gather3A_182, %select_n3A_177 : vector<16xi1>, vector<16xi32>
      %add3A_197 = arith.constant 4 : i32
      %add3A_198 = vector.broadcast %add3A_197 : i32 to vector<16xi32>
      %add3A_199 = arith.addi %min3A_120, %add3A_198 : vector<16xi32>
      %gather3A_200 = tpu.vector_load_idx %arg6[%add3A_199] : memref<1024xf32, #tpu.memory_space<vmem>>[vector<16xi32>], vector<16xf32>,
      %gather3A_201 = tpu.vector_load_idx %arg7[%add3A_199] : memref<1024xi32, #tpu.memory_space<vmem>>[vector<16xi32>], vector<16xi32>,
      %mul3A_202 = arith.mulf %get3A_26, %gather3A_200 : vector<16xf32>
      %mul3A_203 = arith.constant 2.000000e+00 : f32
      %mul3A_204 = vector.broadcast %mul3A_203 : f32 to vector<16xf32>
      %mul3A_205 = arith.mulf %mul3A_204, %mul3A_202 : vector<16xf32>
      %sub3A_206 = arith.subf %mul3A_27, %mul3A_205 : vector<16xf32>
      %mul3A_207 = arith.mulf %gather3A_200, %gather3A_200 : vector<16xf32>
      %add3A_208 = arith.addf %sub3A_206, %mul3A_207 : vector<16xf32>
      %lt3A_209 = arith.cmpf olt, %add3A_208, %select_n3A_195 : vector<16xf32>
      %eq3A_210 = arith.cmpf oeq, %add3A_208, %select_n3A_195 : vector<16xf32>
      %lt3A_211 = arith.cmpi slt, %gather3A_201, %select_n3A_196 : vector<16xi32>
      %and3A_212 = arith.andi %eq3A_210, %lt3A_211 : vector<16xi1>
      %or3A_213 = arith.ori %lt3A_209, %and3A_212 : vector<16xi1>
      %select_n3A_214 = arith.select %or3A_213, %add3A_208, %select_n3A_195 : vector<16xi1>, vector<16xf32>
      %select_n3A_215 = arith.select %or3A_213, %gather3A_201, %select_n3A_196 : vector<16xi1>, vector<16xi32>
      %add3A_216 = arith.constant 5 : i32
      %add3A_217 = vector.broadcast %add3A_216 : i32 to vector<16xi32>
      %add3A_218 = arith.addi %min3A_120, %add3A_217 : vector<16xi32>
      %gather3A_219 = tpu.vector_load_idx %arg6[%add3A_218] : memref<1024xf32, #tpu.memory_space<vmem>>[vector<16xi32>], vector<16xf32>,
      %gather3A_220 = tpu.vector_load_idx %arg7[%add3A_218] : memref<1024xi32, #tpu.memory_space<vmem>>[vector<16xi32>], vector<16xi32>,
      %mul3A_221 = arith.mulf %get3A_26, %gather3A_219 : vector<16xf32>
      %mul3A_222 = arith.constant 2.000000e+00 : f32
      %mul3A_223 = vector.broadcast %mul3A_222 : f32 to vector<16xf32>
      %mul3A_224 = arith.mulf %mul3A_223, %mul3A_221 : vector<16xf32>
      %sub3A_225 = arith.subf %mul3A_27, %mul3A_224 : vector<16xf32>
      %mul3A_226 = arith.mulf %gather3A_219, %gather3A_219 : vector<16xf32>
      %add3A_227 = arith.addf %sub3A_225, %mul3A_226 : vector<16xf32>
      %lt3A_228 = arith.cmpf olt, %add3A_227, %select_n3A_214 : vector<16xf32>
      %eq3A_229 = arith.cmpf oeq, %add3A_227, %select_n3A_214 : vector<16xf32>
      %lt3A_230 = arith.cmpi slt, %gather3A_220, %select_n3A_215 : vector<16xi32>
      %and3A_231 = arith.andi %eq3A_229, %lt3A_230 : vector<16xi1>
      %or3A_232 = arith.ori %lt3A_228, %and3A_231 : vector<16xi1>
      %select_n3A_233 = arith.select %or3A_232, %add3A_227, %select_n3A_214 : vector<16xi1>, vector<16xf32>
      %select_n3A_234 = arith.select %or3A_232, %gather3A_220, %select_n3A_215 : vector<16xi1>, vector<16xi32>
      %add3A_235 = arith.constant 6 : i32
      %add3A_236 = vector.broadcast %add3A_235 : i32 to vector<16xi32>
      %add3A_237 = arith.addi %min3A_120, %add3A_236 : vector<16xi32>
      %gather3A_238 = tpu.vector_load_idx %arg6[%add3A_237] : memref<1024xf32, #tpu.memory_space<vmem>>[vector<16xi32>], vector<16xf32>,
      %gather3A_239 = tpu.vector_load_idx %arg7[%add3A_237] : memref<1024xi32, #tpu.memory_space<vmem>>[vector<16xi32>], vector<16xi32>,
      %mul3A_240 = arith.mulf %get3A_26, %gather3A_238 : vector<16xf32>
      %mul3A_241 = arith.constant 2.000000e+00 : f32
      %mul3A_242 = vector.broadcast %mul3A_241 : f32 to vector<16xf32>
      %mul3A_243 = arith.mulf %mul3A_242, %mul3A_240 : vector<16xf32>
      %sub3A_244 = arith.subf %mul3A_27, %mul3A_243 : vector<16xf32>
      %mul3A_245 = arith.mulf %gather3A_238, %gather3A_238 : vector<16xf32>
      %add3A_246 = arith.addf %sub3A_244, %mul3A_245 : vector<16xf32>
      %lt3A_247 = arith.cmpf olt, %add3A_246, %select_n3A_233 : vector<16xf32>
      %eq3A_248 = arith.cmpf oeq, %add3A_246, %select_n3A_233 : vector<16xf32>
      %lt3A_249 = arith.cmpi slt, %gather3A_239, %select_n3A_234 : vector<16xi32>
      %and3A_250 = arith.andi %eq3A_248, %lt3A_249 : vector<16xi1>
      %or3A_251 = arith.ori %lt3A_247, %and3A_250 : vector<16xi1>
      %select_n3A_252 = arith.select %or3A_251, %add3A_246, %select_n3A_233 : vector<16xi1>, vector<16xf32>
      %select_n3A_253 = arith.select %or3A_251, %gather3A_239, %select_n3A_234 : vector<16xi1>, vector<16xi32>
      %add3A_254 = arith.constant 7 : i32
      %add3A_255 = vector.broadcast %add3A_254 : i32 to vector<16xi32>
      %add3A_256 = arith.addi %min3A_120, %add3A_255 : vector<16xi32>
      %gather3A_257 = tpu.vector_load_idx %arg6[%add3A_256] : memref<1024xf32, #tpu.memory_space<vmem>>[vector<16xi32>], vector<16xf32>,
      %gather3A_258 = tpu.vector_load_idx %arg7[%add3A_256] : memref<1024xi32, #tpu.memory_space<vmem>>[vector<16xi32>], vector<16xi32>,
      %mul3A_259 = arith.mulf %get3A_26, %gather3A_257 : vector<16xf32>
      %mul3A_260 = arith.constant 2.000000e+00 : f32
      %mul3A_261 = vector.broadcast %mul3A_260 : f32 to vector<16xf32>
      %mul3A_262 = arith.mulf %mul3A_261, %mul3A_259 : vector<16xf32>
      %sub3A_263 = arith.subf %mul3A_27, %mul3A_262 : vector<16xf32>
      %mul3A_264 = arith.mulf %gather3A_257, %gather3A_257 : vector<16xf32>
      %add3A_265 = arith.addf %sub3A_263, %mul3A_264 : vector<16xf32>
      %lt3A_266 = arith.cmpf olt, %add3A_265, %select_n3A_252 : vector<16xf32>
      %eq3A_267 = arith.cmpf oeq, %add3A_265, %select_n3A_252 : vector<16xf32>
      %lt3A_268 = arith.cmpi slt, %gather3A_258, %select_n3A_253 : vector<16xi32>
      %and3A_269 = arith.andi %eq3A_267, %lt3A_268 : vector<16xi1>
      %or3A_270 = arith.ori %lt3A_266, %and3A_269 : vector<16xi1>
      %select_n3A_271 = arith.select %or3A_270, %add3A_265, %select_n3A_252 : vector<16xi1>, vector<16xf32>
      %select_n3A_272 = arith.select %or3A_270, %gather3A_258, %select_n3A_253 : vector<16xi1>, vector<16xi32>
      %add3A_273 = arith.constant 8 : i32
      %add3A_274 = vector.broadcast %add3A_273 : i32 to vector<16xi32>
      %add3A_275 = arith.addi %min3A_120, %add3A_274 : vector<16xi32>
      %gather3A_276 = tpu.vector_load_idx %arg6[%add3A_275] : memref<1024xf32, #tpu.memory_space<vmem>>[vector<16xi32>], vector<16xf32>,
      %gather3A_277 = tpu.vector_load_idx %arg7[%add3A_275] : memref<1024xi32, #tpu.memory_space<vmem>>[vector<16xi32>], vector<16xi32>,
      %mul3A_278 = arith.mulf %get3A_26, %gather3A_276 : vector<16xf32>
      %mul3A_279 = arith.constant 2.000000e+00 : f32
      %mul3A_280 = vector.broadcast %mul3A_279 : f32 to vector<16xf32>
      %mul3A_281 = arith.mulf %mul3A_280, %mul3A_278 : vector<16xf32>
      %sub3A_282 = arith.subf %mul3A_27, %mul3A_281 : vector<16xf32>
      %mul3A_283 = arith.mulf %gather3A_276, %gather3A_276 : vector<16xf32>
      %add3A_284 = arith.addf %sub3A_282, %mul3A_283 : vector<16xf32>
      %lt3A_285 = arith.cmpf olt, %add3A_284, %select_n3A_271 : vector<16xf32>
      %eq3A_286 = arith.cmpf oeq, %add3A_284, %select_n3A_271 : vector<16xf32>
      %lt3A_287 = arith.cmpi slt, %gather3A_277, %select_n3A_272 : vector<16xi32>
      %and3A_288 = arith.andi %eq3A_286, %lt3A_287 : vector<16xi1>
      %or3A_289 = arith.ori %lt3A_285, %and3A_288 : vector<16xi1>
      %select_n3A_290 = arith.select %or3A_289, %add3A_284, %select_n3A_271 : vector<16xi1>, vector<16xf32>
      %select_n3A_291 = arith.select %or3A_289, %gather3A_277, %select_n3A_272 : vector<16xi1>, vector<16xi32>
      %add3A_292 = arith.constant 9 : i32
      %add3A_293 = vector.broadcast %add3A_292 : i32 to vector<16xi32>
      %add3A_294 = arith.addi %min3A_120, %add3A_293 : vector<16xi32>
      %gather3A_295 = tpu.vector_load_idx %arg6[%add3A_294] : memref<1024xf32, #tpu.memory_space<vmem>>[vector<16xi32>], vector<16xf32>,
      %gather3A_296 = tpu.vector_load_idx %arg7[%add3A_294] : memref<1024xi32, #tpu.memory_space<vmem>>[vector<16xi32>], vector<16xi32>,
      %mul3A_297 = arith.mulf %get3A_26, %gather3A_295 : vector<16xf32>
      %mul3A_298 = arith.constant 2.000000e+00 : f32
      %mul3A_299 = vector.broadcast %mul3A_298 : f32 to vector<16xf32>
      %mul3A_300 = arith.mulf %mul3A_299, %mul3A_297 : vector<16xf32>
      %sub3A_301 = arith.subf %mul3A_27, %mul3A_300 : vector<16xf32>
      %mul3A_302 = arith.mulf %gather3A_295, %gather3A_295 : vector<16xf32>
      %add3A_303 = arith.addf %sub3A_301, %mul3A_302 : vector<16xf32>
      %lt3A_304 = arith.cmpf olt, %add3A_303, %select_n3A_290 : vector<16xf32>
      %eq3A_305 = arith.cmpf oeq, %add3A_303, %select_n3A_290 : vector<16xf32>
      %lt3A_306 = arith.cmpi slt, %gather3A_296, %select_n3A_291 : vector<16xi32>
      %and3A_307 = arith.andi %eq3A_305, %lt3A_306 : vector<16xi1>
      %or3A_308 = arith.ori %lt3A_304, %and3A_307 : vector<16xi1>
      %select_n3A_309 = arith.select %or3A_308, %add3A_303, %select_n3A_290 : vector<16xi1>, vector<16xf32>
      %select_n3A_310 = arith.select %or3A_308, %gather3A_296, %select_n3A_291 : vector<16xi1>, vector<16xi32>
      %add3A_311 = arith.constant 10 : i32
      %add3A_312 = vector.broadcast %add3A_311 : i32 to vector<16xi32>
      %add3A_313 = arith.addi %min3A_120, %add3A_312 : vector<16xi32>
      %gather3A_314 = tpu.vector_load_idx %arg6[%add3A_313] : memref<1024xf32, #tpu.memory_space<vmem>>[vector<16xi32>], vector<16xf32>,
      %gather3A_315 = tpu.vector_load_idx %arg7[%add3A_313] : memref<1024xi32, #tpu.memory_space<vmem>>[vector<16xi32>], vector<16xi32>,
      %mul3A_316 = arith.mulf %get3A_26, %gather3A_314 : vector<16xf32>
      %mul3A_317 = arith.constant 2.000000e+00 : f32
      %mul3A_318 = vector.broadcast %mul3A_317 : f32 to vector<16xf32>
      %mul3A_319 = arith.mulf %mul3A_318, %mul3A_316 : vector<16xf32>
      %sub3A_320 = arith.subf %mul3A_27, %mul3A_319 : vector<16xf32>
      %mul3A_321 = arith.mulf %gather3A_314, %gather3A_314 : vector<16xf32>
      %add3A_322 = arith.addf %sub3A_320, %mul3A_321 : vector<16xf32>
      %lt3A_323 = arith.cmpf olt, %add3A_322, %select_n3A_309 : vector<16xf32>
      %eq3A_324 = arith.cmpf oeq, %add3A_322, %select_n3A_309 : vector<16xf32>
      %lt3A_325 = arith.cmpi slt, %gather3A_315, %select_n3A_310 : vector<16xi32>
      %and3A_326 = arith.andi %eq3A_324, %lt3A_325 : vector<16xi1>
      %or3A_327 = arith.ori %lt3A_323, %and3A_326 : vector<16xi1>
      %select_n3A_328 = arith.select %or3A_327, %add3A_322, %select_n3A_309 : vector<16xi1>, vector<16xf32>
      %select_n3A_329 = arith.select %or3A_327, %gather3A_315, %select_n3A_310 : vector<16xi1>, vector<16xi32>
      %add3A_330 = arith.constant 11 : i32
      %add3A_331 = vector.broadcast %add3A_330 : i32 to vector<16xi32>
      %add3A_332 = arith.addi %min3A_120, %add3A_331 : vector<16xi32>
      %gather3A_333 = tpu.vector_load_idx %arg6[%add3A_332] : memref<1024xf32, #tpu.memory_space<vmem>>[vector<16xi32>], vector<16xf32>,
      %gather3A_334 = tpu.vector_load_idx %arg7[%add3A_332] : memref<1024xi32, #tpu.memory_space<vmem>>[vector<16xi32>], vector<16xi32>,
      %mul3A_335 = arith.mulf %get3A_26, %gather3A_333 : vector<16xf32>
      %mul3A_336 = arith.constant 2.000000e+00 : f32
      %mul3A_337 = vector.broadcast %mul3A_336 : f32 to vector<16xf32>
      %mul3A_338 = arith.mulf %mul3A_337, %mul3A_335 : vector<16xf32>
      %sub3A_339 = arith.subf %mul3A_27, %mul3A_338 : vector<16xf32>
      %mul3A_340 = arith.mulf %gather3A_333, %gather3A_333 : vector<16xf32>
      %add3A_341 = arith.addf %sub3A_339, %mul3A_340 : vector<16xf32>
      %lt3A_342 = arith.cmpf olt, %add3A_341, %select_n3A_328 : vector<16xf32>
      %eq3A_343 = arith.cmpf oeq, %add3A_341, %select_n3A_328 : vector<16xf32>
      %lt3A_344 = arith.cmpi slt, %gather3A_334, %select_n3A_329 : vector<16xi32>
      %and3A_345 = arith.andi %eq3A_343, %lt3A_344 : vector<16xi1>
      %or3A_346 = arith.ori %lt3A_342, %and3A_345 : vector<16xi1>
      %select_n3A_347 = arith.select %or3A_346, %add3A_341, %select_n3A_328 : vector<16xi1>, vector<16xf32>
      %select_n3A_348 = arith.select %or3A_346, %gather3A_334, %select_n3A_329 : vector<16xi1>, vector<16xi32>
      %add3A_349 = arith.constant 12 : i32
      %add3A_350 = vector.broadcast %add3A_349 : i32 to vector<16xi32>
      %add3A_351 = arith.addi %min3A_120, %add3A_350 : vector<16xi32>
      %gather3A_352 = tpu.vector_load_idx %arg6[%add3A_351] : memref<1024xf32, #tpu.memory_space<vmem>>[vector<16xi32>], vector<16xf32>,
      %gather3A_353 = tpu.vector_load_idx %arg7[%add3A_351] : memref<1024xi32, #tpu.memory_space<vmem>>[vector<16xi32>], vector<16xi32>,
      %mul3A_354 = arith.mulf %get3A_26, %gather3A_352 : vector<16xf32>
      %mul3A_355 = arith.constant 2.000000e+00 : f32
      %mul3A_356 = vector.broadcast %mul3A_355 : f32 to vector<16xf32>
      %mul3A_357 = arith.mulf %mul3A_356, %mul3A_354 : vector<16xf32>
      %sub3A_358 = arith.subf %mul3A_27, %mul3A_357 : vector<16xf32>
      %mul3A_359 = arith.mulf %gather3A_352, %gather3A_352 : vector<16xf32>
      %add3A_360 = arith.addf %sub3A_358, %mul3A_359 : vector<16xf32>
      %lt3A_361 = arith.cmpf olt, %add3A_360, %select_n3A_347 : vector<16xf32>
      %eq3A_362 = arith.cmpf oeq, %add3A_360, %select_n3A_347 : vector<16xf32>
      %lt3A_363 = arith.cmpi slt, %gather3A_353, %select_n3A_348 : vector<16xi32>
      %and3A_364 = arith.andi %eq3A_362, %lt3A_363 : vector<16xi1>
      %or3A_365 = arith.ori %lt3A_361, %and3A_364 : vector<16xi1>
      %select_n3A_366 = arith.select %or3A_365, %add3A_360, %select_n3A_347 : vector<16xi1>, vector<16xf32>
      %select_n3A_367 = arith.select %or3A_365, %gather3A_353, %select_n3A_348 : vector<16xi1>, vector<16xi32>
      %add3A_368 = arith.constant 13 : i32
      %add3A_369 = vector.broadcast %add3A_368 : i32 to vector<16xi32>
      %add3A_370 = arith.addi %min3A_120, %add3A_369 : vector<16xi32>
      %gather3A_371 = tpu.vector_load_idx %arg6[%add3A_370] : memref<1024xf32, #tpu.memory_space<vmem>>[vector<16xi32>], vector<16xf32>,
      %gather3A_372 = tpu.vector_load_idx %arg7[%add3A_370] : memref<1024xi32, #tpu.memory_space<vmem>>[vector<16xi32>], vector<16xi32>,
      %mul3A_373 = arith.mulf %get3A_26, %gather3A_371 : vector<16xf32>
      %mul3A_374 = arith.constant 2.000000e+00 : f32
      %mul3A_375 = vector.broadcast %mul3A_374 : f32 to vector<16xf32>
      %mul3A_376 = arith.mulf %mul3A_375, %mul3A_373 : vector<16xf32>
      %sub3A_377 = arith.subf %mul3A_27, %mul3A_376 : vector<16xf32>
      %mul3A_378 = arith.mulf %gather3A_371, %gather3A_371 : vector<16xf32>
      %add3A_379 = arith.addf %sub3A_377, %mul3A_378 : vector<16xf32>
      %lt3A_380 = arith.cmpf olt, %add3A_379, %select_n3A_366 : vector<16xf32>
      %eq3A_381 = arith.cmpf oeq, %add3A_379, %select_n3A_366 : vector<16xf32>
      %lt3A_382 = arith.cmpi slt, %gather3A_372, %select_n3A_367 : vector<16xi32>
      %and3A_383 = arith.andi %eq3A_381, %lt3A_382 : vector<16xi1>
      %or3A_384 = arith.ori %lt3A_380, %and3A_383 : vector<16xi1>
      %select_n3A_385 = arith.select %or3A_384, %add3A_379, %select_n3A_366 : vector<16xi1>, vector<16xf32>
      %select_n3A_386 = arith.select %or3A_384, %gather3A_372, %select_n3A_367 : vector<16xi1>, vector<16xi32>
      %add3A_387 = arith.constant 14 : i32
      %add3A_388 = vector.broadcast %add3A_387 : i32 to vector<16xi32>
      %add3A_389 = arith.addi %min3A_120, %add3A_388 : vector<16xi32>
      %gather3A_390 = tpu.vector_load_idx %arg6[%add3A_389] : memref<1024xf32, #tpu.memory_space<vmem>>[vector<16xi32>], vector<16xf32>,
      %gather3A_391 = tpu.vector_load_idx %arg7[%add3A_389] : memref<1024xi32, #tpu.memory_space<vmem>>[vector<16xi32>], vector<16xi32>,
      %mul3A_392 = arith.mulf %get3A_26, %gather3A_390 : vector<16xf32>
      %mul3A_393 = arith.constant 2.000000e+00 : f32
      %mul3A_394 = vector.broadcast %mul3A_393 : f32 to vector<16xf32>
      %mul3A_395 = arith.mulf %mul3A_394, %mul3A_392 : vector<16xf32>
      %sub3A_396 = arith.subf %mul3A_27, %mul3A_395 : vector<16xf32>
      %mul3A_397 = arith.mulf %gather3A_390, %gather3A_390 : vector<16xf32>
      %add3A_398 = arith.addf %sub3A_396, %mul3A_397 : vector<16xf32>
      %lt3A_399 = arith.cmpf olt, %add3A_398, %select_n3A_385 : vector<16xf32>
      %eq3A_400 = arith.cmpf oeq, %add3A_398, %select_n3A_385 : vector<16xf32>
      %lt3A_401 = arith.cmpi slt, %gather3A_391, %select_n3A_386 : vector<16xi32>
      %and3A_402 = arith.andi %eq3A_400, %lt3A_401 : vector<16xi1>
      %or3A_403 = arith.ori %lt3A_399, %and3A_402 : vector<16xi1>
      %select_n3A_404 = arith.select %or3A_403, %add3A_398, %select_n3A_385 : vector<16xi1>, vector<16xf32>
      %select_n3A_405 = arith.select %or3A_403, %gather3A_391, %select_n3A_386 : vector<16xi1>, vector<16xi32>
      %add3A_406 = arith.constant 15 : i32
      %add3A_407 = vector.broadcast %add3A_406 : i32 to vector<16xi32>
      %add3A_408 = arith.addi %min3A_120, %add3A_407 : vector<16xi32>
      %gather3A_409 = tpu.vector_load_idx %arg6[%add3A_408] : memref<1024xf32, #tpu.memory_space<vmem>>[vector<16xi32>], vector<16xf32>,
      %gather3A_410 = tpu.vector_load_idx %arg7[%add3A_408] : memref<1024xi32, #tpu.memory_space<vmem>>[vector<16xi32>], vector<16xi32>,
      %mul3A_411 = arith.mulf %get3A_26, %gather3A_409 : vector<16xf32>
      %mul3A_412 = arith.constant 2.000000e+00 : f32
      %mul3A_413 = vector.broadcast %mul3A_412 : f32 to vector<16xf32>
      %mul3A_414 = arith.mulf %mul3A_413, %mul3A_411 : vector<16xf32>
      %sub3A_415 = arith.subf %mul3A_27, %mul3A_414 : vector<16xf32>
      %mul3A_416 = arith.mulf %gather3A_409, %gather3A_409 : vector<16xf32>
      %add3A_417 = arith.addf %sub3A_415, %mul3A_416 : vector<16xf32>
      %lt3A_418 = arith.cmpf olt, %add3A_417, %select_n3A_404 : vector<16xf32>
      %eq3A_419 = arith.cmpf oeq, %add3A_417, %select_n3A_404 : vector<16xf32>
      %lt3A_420 = arith.cmpi slt, %gather3A_410, %select_n3A_405 : vector<16xi32>
      %and3A_421 = arith.andi %eq3A_419, %lt3A_420 : vector<16xi1>
      %or3A_422 = arith.ori %lt3A_418, %and3A_421 : vector<16xi1>
      %select_n3A_423 = arith.select %or3A_422, %add3A_417, %select_n3A_404 : vector<16xi1>, vector<16xf32>
      %select_n3A_424 = arith.select %or3A_422, %gather3A_410, %select_n3A_405 : vector<16xi1>, vector<16xi32>
      %add3A_425 = arith.constant 16 : i32
      %add3A_426 = vector.broadcast %add3A_425 : i32 to vector<16xi32>
      %add3A_427 = arith.addi %min3A_120, %add3A_426 : vector<16xi32>
      %gather3A_428 = tpu.vector_load_idx %arg6[%add3A_427] : memref<1024xf32, #tpu.memory_space<vmem>>[vector<16xi32>], vector<16xf32>,
      %gather3A_429 = tpu.vector_load_idx %arg7[%add3A_427] : memref<1024xi32, #tpu.memory_space<vmem>>[vector<16xi32>], vector<16xi32>,
      %mul3A_430 = arith.mulf %get3A_26, %gather3A_428 : vector<16xf32>
      %mul3A_431 = arith.constant 2.000000e+00 : f32
      %mul3A_432 = vector.broadcast %mul3A_431 : f32 to vector<16xf32>
      %mul3A_433 = arith.mulf %mul3A_432, %mul3A_430 : vector<16xf32>
      %sub3A_434 = arith.subf %mul3A_27, %mul3A_433 : vector<16xf32>
      %mul3A_435 = arith.mulf %gather3A_428, %gather3A_428 : vector<16xf32>
      %add3A_436 = arith.addf %sub3A_434, %mul3A_435 : vector<16xf32>
      %lt3A_437 = arith.cmpf olt, %add3A_436, %select_n3A_423 : vector<16xf32>
      %eq3A_438 = arith.cmpf oeq, %add3A_436, %select_n3A_423 : vector<16xf32>
      %lt3A_439 = arith.cmpi slt, %gather3A_429, %select_n3A_424 : vector<16xi32>
      %and3A_440 = arith.andi %eq3A_438, %lt3A_439 : vector<16xi1>
      %or3A_441 = arith.ori %lt3A_437, %and3A_440 : vector<16xi1>
      %select_n3A_442 = arith.select %or3A_441, %add3A_436, %select_n3A_423 : vector<16xi1>, vector<16xf32>
      %select_n3A_443 = arith.select %or3A_441, %gather3A_429, %select_n3A_424 : vector<16xi1>, vector<16xi32>
      %add3A_444 = arith.constant 17 : i32
      %add3A_445 = vector.broadcast %add3A_444 : i32 to vector<16xi32>
      %add3A_446 = arith.addi %min3A_120, %add3A_445 : vector<16xi32>
      %gather3A_447 = tpu.vector_load_idx %arg6[%add3A_446] : memref<1024xf32, #tpu.memory_space<vmem>>[vector<16xi32>], vector<16xf32>,
      %gather3A_448 = tpu.vector_load_idx %arg7[%add3A_446] : memref<1024xi32, #tpu.memory_space<vmem>>[vector<16xi32>], vector<16xi32>,
      %mul3A_449 = arith.mulf %get3A_26, %gather3A_447 : vector<16xf32>
      %mul3A_450 = arith.constant 2.000000e+00 : f32
      %mul3A_451 = vector.broadcast %mul3A_450 : f32 to vector<16xf32>
      %mul3A_452 = arith.mulf %mul3A_451, %mul3A_449 : vector<16xf32>
      %sub3A_453 = arith.subf %mul3A_27, %mul3A_452 : vector<16xf32>
      %mul3A_454 = arith.mulf %gather3A_447, %gather3A_447 : vector<16xf32>
      %add3A_455 = arith.addf %sub3A_453, %mul3A_454 : vector<16xf32>
      %lt3A_456 = arith.cmpf olt, %add3A_455, %select_n3A_442 : vector<16xf32>
      %eq3A_457 = arith.cmpf oeq, %add3A_455, %select_n3A_442 : vector<16xf32>
      %lt3A_458 = arith.cmpi slt, %gather3A_448, %select_n3A_443 : vector<16xi32>
      %and3A_459 = arith.andi %eq3A_457, %lt3A_458 : vector<16xi1>
      %or3A_460 = arith.ori %lt3A_456, %and3A_459 : vector<16xi1>
      %select_n3A_461 = arith.select %or3A_460, %add3A_455, %select_n3A_442 : vector<16xi1>, vector<16xf32>
      %select_n3A_462 = arith.select %or3A_460, %gather3A_448, %select_n3A_443 : vector<16xi1>, vector<16xi32>
      %add3A_463 = arith.constant 18 : i32
      %add3A_464 = vector.broadcast %add3A_463 : i32 to vector<16xi32>
      %add3A_465 = arith.addi %min3A_120, %add3A_464 : vector<16xi32>
      %gather3A_466 = tpu.vector_load_idx %arg6[%add3A_465] : memref<1024xf32, #tpu.memory_space<vmem>>[vector<16xi32>], vector<16xf32>,
      %gather3A_467 = tpu.vector_load_idx %arg7[%add3A_465] : memref<1024xi32, #tpu.memory_space<vmem>>[vector<16xi32>], vector<16xi32>,
      %mul3A_468 = arith.mulf %get3A_26, %gather3A_466 : vector<16xf32>
      %mul3A_469 = arith.constant 2.000000e+00 : f32
      %mul3A_470 = vector.broadcast %mul3A_469 : f32 to vector<16xf32>
      %mul3A_471 = arith.mulf %mul3A_470, %mul3A_468 : vector<16xf32>
      %sub3A_472 = arith.subf %mul3A_27, %mul3A_471 : vector<16xf32>
      %mul3A_473 = arith.mulf %gather3A_466, %gather3A_466 : vector<16xf32>
      %add3A_474 = arith.addf %sub3A_472, %mul3A_473 : vector<16xf32>
      %lt3A_475 = arith.cmpf olt, %add3A_474, %select_n3A_461 : vector<16xf32>
      %eq3A_476 = arith.cmpf oeq, %add3A_474, %select_n3A_461 : vector<16xf32>
      %lt3A_477 = arith.cmpi slt, %gather3A_467, %select_n3A_462 : vector<16xi32>
      %and3A_478 = arith.andi %eq3A_476, %lt3A_477 : vector<16xi1>
      %or3A_479 = arith.ori %lt3A_475, %and3A_478 : vector<16xi1>
      %select_n3A_480 = arith.select %or3A_479, %add3A_474, %select_n3A_461 : vector<16xi1>, vector<16xf32>
      %select_n3A_481 = arith.select %or3A_479, %gather3A_467, %select_n3A_462 : vector<16xi1>, vector<16xi32>
      %add3A_482 = arith.constant 19 : i32
      %add3A_483 = vector.broadcast %add3A_482 : i32 to vector<16xi32>
      %add3A_484 = arith.addi %min3A_120, %add3A_483 : vector<16xi32>
      %gather3A_485 = tpu.vector_load_idx %arg6[%add3A_484] : memref<1024xf32, #tpu.memory_space<vmem>>[vector<16xi32>], vector<16xf32>,
      %gather3A_486 = tpu.vector_load_idx %arg7[%add3A_484] : memref<1024xi32, #tpu.memory_space<vmem>>[vector<16xi32>], vector<16xi32>,
      %mul3A_487 = arith.mulf %get3A_26, %gather3A_485 : vector<16xf32>
      %mul3A_488 = arith.constant 2.000000e+00 : f32
      %mul3A_489 = vector.broadcast %mul3A_488 : f32 to vector<16xf32>
      %mul3A_490 = arith.mulf %mul3A_489, %mul3A_487 : vector<16xf32>
      %sub3A_491 = arith.subf %mul3A_27, %mul3A_490 : vector<16xf32>
      %mul3A_492 = arith.mulf %gather3A_485, %gather3A_485 : vector<16xf32>
      %add3A_493 = arith.addf %sub3A_491, %mul3A_492 : vector<16xf32>
      %lt3A_494 = arith.cmpf olt, %add3A_493, %select_n3A_480 : vector<16xf32>
      %eq3A_495 = arith.cmpf oeq, %add3A_493, %select_n3A_480 : vector<16xf32>
      %lt3A_496 = arith.cmpi slt, %gather3A_486, %select_n3A_481 : vector<16xi32>
      %and3A_497 = arith.andi %eq3A_495, %lt3A_496 : vector<16xi1>
      %or3A_498 = arith.ori %lt3A_494, %and3A_497 : vector<16xi1>
      %select_n3A_499 = arith.select %or3A_498, %add3A_493, %select_n3A_480 : vector<16xi1>, vector<16xf32>
      %select_n3A_500 = arith.select %or3A_498, %gather3A_486, %select_n3A_481 : vector<16xi1>, vector<16xi32>
      %add3A_501 = arith.constant 20 : i32
      %add3A_502 = vector.broadcast %add3A_501 : i32 to vector<16xi32>
      %add3A_503 = arith.addi %min3A_120, %add3A_502 : vector<16xi32>
      %gather3A_504 = tpu.vector_load_idx %arg6[%add3A_503] : memref<1024xf32, #tpu.memory_space<vmem>>[vector<16xi32>], vector<16xf32>,
      %gather3A_505 = tpu.vector_load_idx %arg7[%add3A_503] : memref<1024xi32, #tpu.memory_space<vmem>>[vector<16xi32>], vector<16xi32>,
      %mul3A_506 = arith.mulf %get3A_26, %gather3A_504 : vector<16xf32>
      %mul3A_507 = arith.constant 2.000000e+00 : f32
      %mul3A_508 = vector.broadcast %mul3A_507 : f32 to vector<16xf32>
      %mul3A_509 = arith.mulf %mul3A_508, %mul3A_506 : vector<16xf32>
      %sub3A_510 = arith.subf %mul3A_27, %mul3A_509 : vector<16xf32>
      %mul3A_511 = arith.mulf %gather3A_504, %gather3A_504 : vector<16xf32>
      %add3A_512 = arith.addf %sub3A_510, %mul3A_511 : vector<16xf32>
      %lt3A_513 = arith.cmpf olt, %add3A_512, %select_n3A_499 : vector<16xf32>
      %eq3A_514 = arith.cmpf oeq, %add3A_512, %select_n3A_499 : vector<16xf32>
      %lt3A_515 = arith.cmpi slt, %gather3A_505, %select_n3A_500 : vector<16xi32>
      %and3A_516 = arith.andi %eq3A_514, %lt3A_515 : vector<16xi1>
      %or3A_517 = arith.ori %lt3A_513, %and3A_516 : vector<16xi1>
      %select_n3A_518 = arith.select %or3A_517, %add3A_512, %select_n3A_499 : vector<16xi1>, vector<16xf32>
      %select_n3A_519 = arith.select %or3A_517, %gather3A_505, %select_n3A_500 : vector<16xi1>, vector<16xi32>
      %add3A_520 = arith.constant 21 : i32
      %add3A_521 = vector.broadcast %add3A_520 : i32 to vector<16xi32>
      %add3A_522 = arith.addi %min3A_120, %add3A_521 : vector<16xi32>
      %gather3A_523 = tpu.vector_load_idx %arg6[%add3A_522] : memref<1024xf32, #tpu.memory_space<vmem>>[vector<16xi32>], vector<16xf32>,
      %gather3A_524 = tpu.vector_load_idx %arg7[%add3A_522] : memref<1024xi32, #tpu.memory_space<vmem>>[vector<16xi32>], vector<16xi32>,
      %mul3A_525 = arith.mulf %get3A_26, %gather3A_523 : vector<16xf32>
      %mul3A_526 = arith.constant 2.000000e+00 : f32
      %mul3A_527 = vector.broadcast %mul3A_526 : f32 to vector<16xf32>
      %mul3A_528 = arith.mulf %mul3A_527, %mul3A_525 : vector<16xf32>
      %sub3A_529 = arith.subf %mul3A_27, %mul3A_528 : vector<16xf32>
      %mul3A_530 = arith.mulf %gather3A_523, %gather3A_523 : vector<16xf32>
      %add3A_531 = arith.addf %sub3A_529, %mul3A_530 : vector<16xf32>
      %lt3A_532 = arith.cmpf olt, %add3A_531, %select_n3A_518 : vector<16xf32>
      %eq3A_533 = arith.cmpf oeq, %add3A_531, %select_n3A_518 : vector<16xf32>
      %lt3A_534 = arith.cmpi slt, %gather3A_524, %select_n3A_519 : vector<16xi32>
      %and3A_535 = arith.andi %eq3A_533, %lt3A_534 : vector<16xi1>
      %or3A_536 = arith.ori %lt3A_532, %and3A_535 : vector<16xi1>
      %select_n3A_537 = arith.select %or3A_536, %add3A_531, %select_n3A_518 : vector<16xi1>, vector<16xf32>
      %select_n3A_538 = arith.select %or3A_536, %gather3A_524, %select_n3A_519 : vector<16xi1>, vector<16xi32>
      %add3A_539 = arith.constant 22 : i32
      %add3A_540 = vector.broadcast %add3A_539 : i32 to vector<16xi32>
      %add3A_541 = arith.addi %min3A_120, %add3A_540 : vector<16xi32>
      %gather3A_542 = tpu.vector_load_idx %arg6[%add3A_541] : memref<1024xf32, #tpu.memory_space<vmem>>[vector<16xi32>], vector<16xf32>,
      %gather3A_543 = tpu.vector_load_idx %arg7[%add3A_541] : memref<1024xi32, #tpu.memory_space<vmem>>[vector<16xi32>], vector<16xi32>,
      %mul3A_544 = arith.mulf %get3A_26, %gather3A_542 : vector<16xf32>
      %mul3A_545 = arith.constant 2.000000e+00 : f32
      %mul3A_546 = vector.broadcast %mul3A_545 : f32 to vector<16xf32>
      %mul3A_547 = arith.mulf %mul3A_546, %mul3A_544 : vector<16xf32>
      %sub3A_548 = arith.subf %mul3A_27, %mul3A_547 : vector<16xf32>
      %mul3A_549 = arith.mulf %gather3A_542, %gather3A_542 : vector<16xf32>
      %add3A_550 = arith.addf %sub3A_548, %mul3A_549 : vector<16xf32>
      %lt3A_551 = arith.cmpf olt, %add3A_550, %select_n3A_537 : vector<16xf32>
      %eq3A_552 = arith.cmpf oeq, %add3A_550, %select_n3A_537 : vector<16xf32>
      %lt3A_553 = arith.cmpi slt, %gather3A_543, %select_n3A_538 : vector<16xi32>
      %and3A_554 = arith.andi %eq3A_552, %lt3A_553 : vector<16xi1>
      %or3A_555 = arith.ori %lt3A_551, %and3A_554 : vector<16xi1>
      %select_n3A_556 = arith.select %or3A_555, %add3A_550, %select_n3A_537 : vector<16xi1>, vector<16xf32>
      %select_n3A_557 = arith.select %or3A_555, %gather3A_543, %select_n3A_538 : vector<16xi1>, vector<16xi32>
      %add3A_558 = arith.constant 23 : i32
      %add3A_559 = vector.broadcast %add3A_558 : i32 to vector<16xi32>
      %add3A_560 = arith.addi %min3A_120, %add3A_559 : vector<16xi32>
      %gather3A_561 = tpu.vector_load_idx %arg6[%add3A_560] : memref<1024xf32, #tpu.memory_space<vmem>>[vector<16xi32>], vector<16xf32>,
      %gather3A_562 = tpu.vector_load_idx %arg7[%add3A_560] : memref<1024xi32, #tpu.memory_space<vmem>>[vector<16xi32>], vector<16xi32>,
      %mul3A_563 = arith.mulf %get3A_26, %gather3A_561 : vector<16xf32>
      %mul3A_564 = arith.constant 2.000000e+00 : f32
      %mul3A_565 = vector.broadcast %mul3A_564 : f32 to vector<16xf32>
      %mul3A_566 = arith.mulf %mul3A_565, %mul3A_563 : vector<16xf32>
      %sub3A_567 = arith.subf %mul3A_27, %mul3A_566 : vector<16xf32>
      %mul3A_568 = arith.mulf %gather3A_561, %gather3A_561 : vector<16xf32>
      %add3A_569 = arith.addf %sub3A_567, %mul3A_568 : vector<16xf32>
      %lt3A_570 = arith.cmpf olt, %add3A_569, %select_n3A_556 : vector<16xf32>
      %eq3A_571 = arith.cmpf oeq, %add3A_569, %select_n3A_556 : vector<16xf32>
      %lt3A_572 = arith.cmpi slt, %gather3A_562, %select_n3A_557 : vector<16xi32>
      %and3A_573 = arith.andi %eq3A_571, %lt3A_572 : vector<16xi1>
      %or3A_574 = arith.ori %lt3A_570, %and3A_573 : vector<16xi1>
      %select_n3A_575 = arith.select %or3A_574, %add3A_569, %select_n3A_556 : vector<16xi1>, vector<16xf32>
      %select_n3A_576 = arith.select %or3A_574, %gather3A_562, %select_n3A_557 : vector<16xi1>, vector<16xi32>
      %add3A_577 = arith.constant 24 : i32
      %add3A_578 = vector.broadcast %add3A_577 : i32 to vector<16xi32>
      %add3A_579 = arith.addi %min3A_120, %add3A_578 : vector<16xi32>
      %gather3A_580 = tpu.vector_load_idx %arg6[%add3A_579] : memref<1024xf32, #tpu.memory_space<vmem>>[vector<16xi32>], vector<16xf32>,
      %gather3A_581 = tpu.vector_load_idx %arg7[%add3A_579] : memref<1024xi32, #tpu.memory_space<vmem>>[vector<16xi32>], vector<16xi32>,
      %mul3A_582 = arith.mulf %get3A_26, %gather3A_580 : vector<16xf32>
      %mul3A_583 = arith.constant 2.000000e+00 : f32
      %mul3A_584 = vector.broadcast %mul3A_583 : f32 to vector<16xf32>
      %mul3A_585 = arith.mulf %mul3A_584, %mul3A_582 : vector<16xf32>
      %sub3A_586 = arith.subf %mul3A_27, %mul3A_585 : vector<16xf32>
      %mul3A_587 = arith.mulf %gather3A_580, %gather3A_580 : vector<16xf32>
      %add3A_588 = arith.addf %sub3A_586, %mul3A_587 : vector<16xf32>
      %lt3A_589 = arith.cmpf olt, %add3A_588, %select_n3A_575 : vector<16xf32>
      %eq3A_590 = arith.cmpf oeq, %add3A_588, %select_n3A_575 : vector<16xf32>
      %lt3A_591 = arith.cmpi slt, %gather3A_581, %select_n3A_576 : vector<16xi32>
      %and3A_592 = arith.andi %eq3A_590, %lt3A_591 : vector<16xi1>
      %or3A_593 = arith.ori %lt3A_589, %and3A_592 : vector<16xi1>
      %select_n3A_594 = arith.select %or3A_593, %add3A_588, %select_n3A_575 : vector<16xi1>, vector<16xf32>
      %select_n3A_595 = arith.select %or3A_593, %gather3A_581, %select_n3A_576 : vector<16xi1>, vector<16xi32>
      %add3A_596 = arith.constant 25 : i32
      %add3A_597 = vector.broadcast %add3A_596 : i32 to vector<16xi32>
      %add3A_598 = arith.addi %min3A_120, %add3A_597 : vector<16xi32>
      %gather3A_599 = tpu.vector_load_idx %arg6[%add3A_598] : memref<1024xf32, #tpu.memory_space<vmem>>[vector<16xi32>], vector<16xf32>,
      %gather3A_600 = tpu.vector_load_idx %arg7[%add3A_598] : memref<1024xi32, #tpu.memory_space<vmem>>[vector<16xi32>], vector<16xi32>,
      %mul3A_601 = arith.mulf %get3A_26, %gather3A_599 : vector<16xf32>
      %mul3A_602 = arith.constant 2.000000e+00 : f32
      %mul3A_603 = vector.broadcast %mul3A_602 : f32 to vector<16xf32>
      %mul3A_604 = arith.mulf %mul3A_603, %mul3A_601 : vector<16xf32>
      %sub3A_605 = arith.subf %mul3A_27, %mul3A_604 : vector<16xf32>
      %mul3A_606 = arith.mulf %gather3A_599, %gather3A_599 : vector<16xf32>
      %add3A_607 = arith.addf %sub3A_605, %mul3A_606 : vector<16xf32>
      %lt3A_608 = arith.cmpf olt, %add3A_607, %select_n3A_594 : vector<16xf32>
      %eq3A_609 = arith.cmpf oeq, %add3A_607, %select_n3A_594 : vector<16xf32>
      %lt3A_610 = arith.cmpi slt, %gather3A_600, %select_n3A_595 : vector<16xi32>
      %and3A_611 = arith.andi %eq3A_609, %lt3A_610 : vector<16xi1>
      %or3A_612 = arith.ori %lt3A_608, %and3A_611 : vector<16xi1>
      %select_n3A_613 = arith.select %or3A_612, %add3A_607, %select_n3A_594 : vector<16xi1>, vector<16xf32>
      %select_n3A_614 = arith.select %or3A_612, %gather3A_600, %select_n3A_595 : vector<16xi1>, vector<16xi32>
      %add3A_615 = arith.constant 26 : i32
      %add3A_616 = vector.broadcast %add3A_615 : i32 to vector<16xi32>
      %add3A_617 = arith.addi %min3A_120, %add3A_616 : vector<16xi32>
      %gather3A_618 = tpu.vector_load_idx %arg6[%add3A_617] : memref<1024xf32, #tpu.memory_space<vmem>>[vector<16xi32>], vector<16xf32>,
      %gather3A_619 = tpu.vector_load_idx %arg7[%add3A_617] : memref<1024xi32, #tpu.memory_space<vmem>>[vector<16xi32>], vector<16xi32>,
      %mul3A_620 = arith.mulf %get3A_26, %gather3A_618 : vector<16xf32>
      %mul3A_621 = arith.constant 2.000000e+00 : f32
      %mul3A_622 = vector.broadcast %mul3A_621 : f32 to vector<16xf32>
      %mul3A_623 = arith.mulf %mul3A_622, %mul3A_620 : vector<16xf32>
      %sub3A_624 = arith.subf %mul3A_27, %mul3A_623 : vector<16xf32>
      %mul3A_625 = arith.mulf %gather3A_618, %gather3A_618 : vector<16xf32>
      %add3A_626 = arith.addf %sub3A_624, %mul3A_625 : vector<16xf32>
      %lt3A_627 = arith.cmpf olt, %add3A_626, %select_n3A_613 : vector<16xf32>
      %eq3A_628 = arith.cmpf oeq, %add3A_626, %select_n3A_613 : vector<16xf32>
      %lt3A_629 = arith.cmpi slt, %gather3A_619, %select_n3A_614 : vector<16xi32>
      %and3A_630 = arith.andi %eq3A_628, %lt3A_629 : vector<16xi1>
      %or3A_631 = arith.ori %lt3A_627, %and3A_630 : vector<16xi1>
      %select_n3A_632 = arith.select %or3A_631, %add3A_626, %select_n3A_613 : vector<16xi1>, vector<16xf32>
      %select_n3A_633 = arith.select %or3A_631, %gather3A_619, %select_n3A_614 : vector<16xi1>, vector<16xi32>
      %add3A_634 = arith.constant 27 : i32
      %add3A_635 = vector.broadcast %add3A_634 : i32 to vector<16xi32>
      %add3A_636 = arith.addi %min3A_120, %add3A_635 : vector<16xi32>
      %gather3A_637 = tpu.vector_load_idx %arg6[%add3A_636] : memref<1024xf32, #tpu.memory_space<vmem>>[vector<16xi32>], vector<16xf32>,
      %gather3A_638 = tpu.vector_load_idx %arg7[%add3A_636] : memref<1024xi32, #tpu.memory_space<vmem>>[vector<16xi32>], vector<16xi32>,
      %mul3A_639 = arith.mulf %get3A_26, %gather3A_637 : vector<16xf32>
      %mul3A_640 = arith.constant 2.000000e+00 : f32
      %mul3A_641 = vector.broadcast %mul3A_640 : f32 to vector<16xf32>
      %mul3A_642 = arith.mulf %mul3A_641, %mul3A_639 : vector<16xf32>
      %sub3A_643 = arith.subf %mul3A_27, %mul3A_642 : vector<16xf32>
      %mul3A_644 = arith.mulf %gather3A_637, %gather3A_637 : vector<16xf32>
      %add3A_645 = arith.addf %sub3A_643, %mul3A_644 : vector<16xf32>
      %lt3A_646 = arith.cmpf olt, %add3A_645, %select_n3A_632 : vector<16xf32>
      %eq3A_647 = arith.cmpf oeq, %add3A_645, %select_n3A_632 : vector<16xf32>
      %lt3A_648 = arith.cmpi slt, %gather3A_638, %select_n3A_633 : vector<16xi32>
      %and3A_649 = arith.andi %eq3A_647, %lt3A_648 : vector<16xi1>
      %or3A_650 = arith.ori %lt3A_646, %and3A_649 : vector<16xi1>
      %select_n3A_651 = arith.select %or3A_650, %add3A_645, %select_n3A_632 : vector<16xi1>, vector<16xf32>
      %select_n3A_652 = arith.select %or3A_650, %gather3A_638, %select_n3A_633 : vector<16xi1>, vector<16xi32>
      %add3A_653 = arith.constant 28 : i32
      %add3A_654 = vector.broadcast %add3A_653 : i32 to vector<16xi32>
      %add3A_655 = arith.addi %min3A_120, %add3A_654 : vector<16xi32>
      %gather3A_656 = tpu.vector_load_idx %arg6[%add3A_655] : memref<1024xf32, #tpu.memory_space<vmem>>[vector<16xi32>], vector<16xf32>,
      %gather3A_657 = tpu.vector_load_idx %arg7[%add3A_655] : memref<1024xi32, #tpu.memory_space<vmem>>[vector<16xi32>], vector<16xi32>,
      %mul3A_658 = arith.mulf %get3A_26, %gather3A_656 : vector<16xf32>
      %mul3A_659 = arith.constant 2.000000e+00 : f32
      %mul3A_660 = vector.broadcast %mul3A_659 : f32 to vector<16xf32>
      %mul3A_661 = arith.mulf %mul3A_660, %mul3A_658 : vector<16xf32>
      %sub3A_662 = arith.subf %mul3A_27, %mul3A_661 : vector<16xf32>
      %mul3A_663 = arith.mulf %gather3A_656, %gather3A_656 : vector<16xf32>
      %add3A_664 = arith.addf %sub3A_662, %mul3A_663 : vector<16xf32>
      %lt3A_665 = arith.cmpf olt, %add3A_664, %select_n3A_651 : vector<16xf32>
      %eq3A_666 = arith.cmpf oeq, %add3A_664, %select_n3A_651 : vector<16xf32>
      %lt3A_667 = arith.cmpi slt, %gather3A_657, %select_n3A_652 : vector<16xi32>
      %and3A_668 = arith.andi %eq3A_666, %lt3A_667 : vector<16xi1>
      %or3A_669 = arith.ori %lt3A_665, %and3A_668 : vector<16xi1>
      %select_n3A_670 = arith.select %or3A_669, %add3A_664, %select_n3A_651 : vector<16xi1>, vector<16xf32>
      %select_n3A_671 = arith.select %or3A_669, %gather3A_657, %select_n3A_652 : vector<16xi1>, vector<16xi32>
      %add3A_672 = arith.constant 29 : i32
      %add3A_673 = vector.broadcast %add3A_672 : i32 to vector<16xi32>
      %add3A_674 = arith.addi %min3A_120, %add3A_673 : vector<16xi32>
      %gather3A_675 = tpu.vector_load_idx %arg6[%add3A_674] : memref<1024xf32, #tpu.memory_space<vmem>>[vector<16xi32>], vector<16xf32>,
      %gather3A_676 = tpu.vector_load_idx %arg7[%add3A_674] : memref<1024xi32, #tpu.memory_space<vmem>>[vector<16xi32>], vector<16xi32>,
      %mul3A_677 = arith.mulf %get3A_26, %gather3A_675 : vector<16xf32>
      %mul3A_678 = arith.constant 2.000000e+00 : f32
      %mul3A_679 = vector.broadcast %mul3A_678 : f32 to vector<16xf32>
      %mul3A_680 = arith.mulf %mul3A_679, %mul3A_677 : vector<16xf32>
      %sub3A_681 = arith.subf %mul3A_27, %mul3A_680 : vector<16xf32>
      %mul3A_682 = arith.mulf %gather3A_675, %gather3A_675 : vector<16xf32>
      %add3A_683 = arith.addf %sub3A_681, %mul3A_682 : vector<16xf32>
      %lt3A_684 = arith.cmpf olt, %add3A_683, %select_n3A_670 : vector<16xf32>
      %eq3A_685 = arith.cmpf oeq, %add3A_683, %select_n3A_670 : vector<16xf32>
      %lt3A_686 = arith.cmpi slt, %gather3A_676, %select_n3A_671 : vector<16xi32>
      %and3A_687 = arith.andi %eq3A_685, %lt3A_686 : vector<16xi1>
      %or3A_688 = arith.ori %lt3A_684, %and3A_687 : vector<16xi1>
      %select_n3A_689 = arith.select %or3A_688, %add3A_683, %select_n3A_670 : vector<16xi1>, vector<16xf32>
      %select_n3A_690 = arith.select %or3A_688, %gather3A_676, %select_n3A_671 : vector<16xi1>, vector<16xi32>
      %add3A_691 = arith.constant 30 : i32
      %add3A_692 = vector.broadcast %add3A_691 : i32 to vector<16xi32>
      %add3A_693 = arith.addi %min3A_120, %add3A_692 : vector<16xi32>
      %gather3A_694 = tpu.vector_load_idx %arg6[%add3A_693] : memref<1024xf32, #tpu.memory_space<vmem>>[vector<16xi32>], vector<16xf32>,
      %gather3A_695 = tpu.vector_load_idx %arg7[%add3A_693] : memref<1024xi32, #tpu.memory_space<vmem>>[vector<16xi32>], vector<16xi32>,
      %mul3A_696 = arith.mulf %get3A_26, %gather3A_694 : vector<16xf32>
      %mul3A_697 = arith.constant 2.000000e+00 : f32
      %mul3A_698 = vector.broadcast %mul3A_697 : f32 to vector<16xf32>
      %mul3A_699 = arith.mulf %mul3A_698, %mul3A_696 : vector<16xf32>
      %sub3A_700 = arith.subf %mul3A_27, %mul3A_699 : vector<16xf32>
      %mul3A_701 = arith.mulf %gather3A_694, %gather3A_694 : vector<16xf32>
      %add3A_702 = arith.addf %sub3A_700, %mul3A_701 : vector<16xf32>
      %lt3A_703 = arith.cmpf olt, %add3A_702, %select_n3A_689 : vector<16xf32>
      %eq3A_704 = arith.cmpf oeq, %add3A_702, %select_n3A_689 : vector<16xf32>
      %lt3A_705 = arith.cmpi slt, %gather3A_695, %select_n3A_690 : vector<16xi32>
      %and3A_706 = arith.andi %eq3A_704, %lt3A_705 : vector<16xi1>
      %or3A_707 = arith.ori %lt3A_703, %and3A_706 : vector<16xi1>
      %select_n3A_708 = arith.select %or3A_707, %add3A_702, %select_n3A_689 : vector<16xi1>, vector<16xf32>
      %select_n3A_709 = arith.select %or3A_707, %gather3A_695, %select_n3A_690 : vector<16xi1>, vector<16xi32>
      %add3A_710 = arith.constant 31 : i32
      %add3A_711 = vector.broadcast %add3A_710 : i32 to vector<16xi32>
      %add3A_712 = arith.addi %min3A_120, %add3A_711 : vector<16xi32>
      %gather3A_713 = tpu.vector_load_idx %arg6[%add3A_712] : memref<1024xf32, #tpu.memory_space<vmem>>[vector<16xi32>], vector<16xf32>,
      %gather3A_714 = tpu.vector_load_idx %arg7[%add3A_712] : memref<1024xi32, #tpu.memory_space<vmem>>[vector<16xi32>], vector<16xi32>,
      %mul3A_715 = arith.mulf %get3A_26, %gather3A_713 : vector<16xf32>
      %mul3A_716 = arith.constant 2.000000e+00 : f32
      %mul3A_717 = vector.broadcast %mul3A_716 : f32 to vector<16xf32>
      %mul3A_718 = arith.mulf %mul3A_717, %mul3A_715 : vector<16xf32>
      %sub3A_719 = arith.subf %mul3A_27, %mul3A_718 : vector<16xf32>
      %mul3A_720 = arith.mulf %gather3A_713, %gather3A_713 : vector<16xf32>
      %add3A_721 = arith.addf %sub3A_719, %mul3A_720 : vector<16xf32>
      %lt3A_722 = arith.cmpf olt, %add3A_721, %select_n3A_708 : vector<16xf32>
      %eq3A_723 = arith.cmpf oeq, %add3A_721, %select_n3A_708 : vector<16xf32>
      %lt3A_724 = arith.cmpi slt, %gather3A_714, %select_n3A_709 : vector<16xi32>
      %and3A_725 = arith.andi %eq3A_723, %lt3A_724 : vector<16xi1>
      %or3A_726 = arith.ori %lt3A_722, %and3A_725 : vector<16xi1>
      %select_n3A_727 = arith.select %or3A_726, %add3A_721, %select_n3A_708 : vector<16xi1>, vector<16xf32>
      %select_n3A_728 = arith.select %or3A_726, %gather3A_714, %select_n3A_709 : vector<16xi1>, vector<16xi32>
      %mul3A_729 = arith.constant 16 : i32
      %mul3A_730 = arith.muli %scan3A_22, %mul3A_729 : i32
      %swap3A = arith.index_cast %mul3A_730 : i32 to index
      %swap3A_731 = tpu.vector_load %arg9[%swap3A] {strides = array<i32>} : memref<32768xi32, #tpu.memory_space<vmem>>, vector<16xi32>,
      tpu.vector_store %arg9[%swap3A], %select_n3A_728 {strides = array<i32>} : memref<32768xi32, #tpu.memory_space<vmem>>, vector<16xi32>,
      %scan3A_732 = arith.constant 0 : i32
      scf.yield %scan3A_732 : i32
    }
    %scan3A_10 = arith.constant 2048 : i32
    "tpu.region"() ({
      %run_scoped3A = tpu.sem_alloc : memref<!tpu.dma_semaphore, #tpu.memory_space<semaphore_mem>>
      %dma_start3A = tpu.memref_slice %arg5[%add3A_4] : memref<2097152xi32, #tpu.memory_space<hbm>> -> memref<32768xi32, #tpu.memory_space<hbm>>
      %dma_start3A_22 = tpu.memref_slice %arg5[%add3A_4] : memref<2097152xi32, #tpu.memory_space<hbm>> -> memref<32768xi32, #tpu.memory_space<hbm>>
      tpu.enqueue_dma source(%arg9 : memref<32768xi32, #tpu.memory_space<vmem>>) target(%dma_start3A_22 : memref<32768xi32, #tpu.memory_space<hbm>>) target_semaphore(%run_scoped3A : memref<!tpu.dma_semaphore, #tpu.memory_space<semaphore_mem>>)
      %dma_wait3A = tpu.memref_slice %arg5[%add3A_4] : memref<2097152xi32, #tpu.memory_space<hbm>> -> memref<32768xi32, #tpu.memory_space<hbm>>
      %dma_wait3A_23 = tpu.memref_slice %arg5[%add3A_4] : memref<2097152xi32, #tpu.memory_space<hbm>> -> memref<32768xi32, #tpu.memory_space<hbm>>
      tpu.wait_dma2 semaphore(%run_scoped3A : memref<!tpu.dma_semaphore, #tpu.memory_space<semaphore_mem>>) src(%arg9 : memref<32768xi32, #tpu.memory_space<vmem>>) dst(%dma_wait3A_23 : memref<32768xi32, #tpu.memory_space<hbm>>)
      tpu.yield
    }) : () -> ()
    %mul3A_11 = arith.constant 65536 : i32
    %mul3A_12 = arith.muli %add3A, %mul3A_11 : i32
    %add3A_13 = arith.constant 32768 : i32
    %add3A_14 = arith.addi %mul3A_12, %add3A_13 : i32
    "tpu.region"() ({
      %run_scoped3A = tpu.sem_alloc : memref<!tpu.dma_semaphore, #tpu.memory_space<semaphore_mem>>
      %dma_start3A = tpu.memref_slice %arg2[%add3A_14] : memref<2097152xf32, #tpu.memory_space<hbm>> -> memref<32768xf32, #tpu.memory_space<hbm>>
      %dma_start3A_22 = tpu.memref_slice %arg2[%add3A_14] : memref<2097152xf32, #tpu.memory_space<hbm>> -> memref<32768xf32, #tpu.memory_space<hbm>>
      tpu.enqueue_dma source(%dma_start3A_22 : memref<32768xf32, #tpu.memory_space<hbm>>) target(%arg8 : memref<32768xf32, #tpu.memory_space<vmem>>) target_semaphore(%run_scoped3A : memref<!tpu.dma_semaphore, #tpu.memory_space<semaphore_mem>>)
      %dma_wait3A = tpu.memref_slice %arg2[%add3A_14] : memref<2097152xf32, #tpu.memory_space<hbm>> -> memref<32768xf32, #tpu.memory_space<hbm>>
      %dma_wait3A_23 = tpu.memref_slice %arg2[%add3A_14] : memref<2097152xf32, #tpu.memory_space<hbm>> -> memref<32768xf32, #tpu.memory_space<hbm>>
      tpu.wait_dma2 semaphore(%run_scoped3A : memref<!tpu.dma_semaphore, #tpu.memory_space<semaphore_mem>>) src(%dma_wait3A_23 : memref<32768xf32, #tpu.memory_space<hbm>>) dst(%arg8 : memref<32768xf32, #tpu.memory_space<vmem>>)
      tpu.yield
    }) : () -> ()
    %scan3A_15 = arith.constant 0 : i32
    %scan3A_16 = arith.constant 0 : i32
    %scan3A_17 = arith.constant 2048 : i32
    %scan3A_18 = arith.addi %scan3A_16, %scan3A_17 : i32
    %scan3A_19 = arith.constant 1 : i32
    %scan3A_20 = scf.for %scan3A_22 = %scan3A_16 to %scan3A_18 step %scan3A_19 iter_args(%scan3A_23 = %scan3A_15) -> (i32)  : i32 {
      %mul3A_24 = arith.constant 16 : i32
      %mul3A_25 = arith.muli %scan3A_22, %mul3A_24 : i32
      %get3A = arith.index_cast %mul3A_25 : i32 to index
      %get3A_26 = tpu.vector_load %arg8[%get3A] {strides = array<i32>} : memref<32768xf32, #tpu.memory_space<vmem>>, vector<16xf32>,
      %mul3A_27 = arith.mulf %get3A_26, %get3A_26 : vector<16xf32>
      %broadcast_in_dim3A = arith.constant 0 : i32
      %broadcast_in_dim3A_28 = vector.broadcast %broadcast_in_dim3A : i32 to vector<16xi32>
      %add3A_29 = arith.constant 511 : i32
      %add3A_30 = vector.broadcast %add3A_29 : i32 to vector<16xi32>
      %add3A_31 = arith.addi %broadcast_in_dim3A_28, %add3A_30 : vector<16xi32>
      %gather3A = tpu.vector_load_idx %arg6[%add3A_31] : memref<1024xf32, #tpu.memory_space<vmem>>[vector<16xi32>], vector<16xf32>,
      %le3A = arith.cmpf ole, %gather3A, %get3A_26 : vector<16xf32>
      %add3A_32 = arith.constant 512 : i32
      %add3A_33 = vector.broadcast %add3A_32 : i32 to vector<16xi32>
      %add3A_34 = arith.addi %broadcast_in_dim3A_28, %add3A_33 : vector<16xi32>
      %select_n3A = arith.select %le3A, %add3A_34, %broadcast_in_dim3A_28 : vector<16xi1>, vector<16xi32>
      %add3A_35 = arith.constant 255 : i32
      %add3A_36 = vector.broadcast %add3A_35 : i32 to vector<16xi32>
      %add3A_37 = arith.addi %select_n3A, %add3A_36 : vector<16xi32>
      %gather3A_38 = tpu.vector_load_idx %arg6[%add3A_37] : memref<1024xf32, #tpu.memory_space<vmem>>[vector<16xi32>], vector<16xf32>,
      %le3A_39 = arith.cmpf ole, %gather3A_38, %get3A_26 : vector<16xf32>
      %add3A_40 = arith.constant 256 : i32
      %add3A_41 = vector.broadcast %add3A_40 : i32 to vector<16xi32>
      %add3A_42 = arith.addi %select_n3A, %add3A_41 : vector<16xi32>
      %select_n3A_43 = arith.select %le3A_39, %add3A_42, %select_n3A : vector<16xi1>, vector<16xi32>
      %add3A_44 = arith.constant 127 : i32
      %add3A_45 = vector.broadcast %add3A_44 : i32 to vector<16xi32>
      %add3A_46 = arith.addi %select_n3A_43, %add3A_45 : vector<16xi32>
      %gather3A_47 = tpu.vector_load_idx %arg6[%add3A_46] : memref<1024xf32, #tpu.memory_space<vmem>>[vector<16xi32>], vector<16xf32>,
      %le3A_48 = arith.cmpf ole, %gather3A_47, %get3A_26 : vector<16xf32>
      %add3A_49 = arith.constant 128 : i32
      %add3A_50 = vector.broadcast %add3A_49 : i32 to vector<16xi32>
      %add3A_51 = arith.addi %select_n3A_43, %add3A_50 : vector<16xi32>
      %select_n3A_52 = arith.select %le3A_48, %add3A_51, %select_n3A_43 : vector<16xi1>, vector<16xi32>
      %add3A_53 = arith.constant 63 : i32
      %add3A_54 = vector.broadcast %add3A_53 : i32 to vector<16xi32>
      %add3A_55 = arith.addi %select_n3A_52, %add3A_54 : vector<16xi32>
      %gather3A_56 = tpu.vector_load_idx %arg6[%add3A_55] : memref<1024xf32, #tpu.memory_space<vmem>>[vector<16xi32>], vector<16xf32>,
      %le3A_57 = arith.cmpf ole, %gather3A_56, %get3A_26 : vector<16xf32>
      %add3A_58 = arith.constant 64 : i32
      %add3A_59 = vector.broadcast %add3A_58 : i32 to vector<16xi32>
      %add3A_60 = arith.addi %select_n3A_52, %add3A_59 : vector<16xi32>
      %select_n3A_61 = arith.select %le3A_57, %add3A_60, %select_n3A_52 : vector<16xi1>, vector<16xi32>
      %add3A_62 = arith.constant 31 : i32
      %add3A_63 = vector.broadcast %add3A_62 : i32 to vector<16xi32>
      %add3A_64 = arith.addi %select_n3A_61, %add3A_63 : vector<16xi32>
      %gather3A_65 = tpu.vector_load_idx %arg6[%add3A_64] : memref<1024xf32, #tpu.memory_space<vmem>>[vector<16xi32>], vector<16xf32>,
      %le3A_66 = arith.cmpf ole, %gather3A_65, %get3A_26 : vector<16xf32>
      %add3A_67 = arith.constant 32 : i32
      %add3A_68 = vector.broadcast %add3A_67 : i32 to vector<16xi32>
      %add3A_69 = arith.addi %select_n3A_61, %add3A_68 : vector<16xi32>
      %select_n3A_70 = arith.select %le3A_66, %add3A_69, %select_n3A_61 : vector<16xi1>, vector<16xi32>
      %add3A_71 = arith.constant 15 : i32
      %add3A_72 = vector.broadcast %add3A_71 : i32 to vector<16xi32>
      %add3A_73 = arith.addi %select_n3A_70, %add3A_72 : vector<16xi32>
      %gather3A_74 = tpu.vector_load_idx %arg6[%add3A_73] : memref<1024xf32, #tpu.memory_space<vmem>>[vector<16xi32>], vector<16xf32>,
      %le3A_75 = arith.cmpf ole, %gather3A_74, %get3A_26 : vector<16xf32>
      %add3A_76 = arith.constant 16 : i32
      %add3A_77 = vector.broadcast %add3A_76 : i32 to vector<16xi32>
      %add3A_78 = arith.addi %select_n3A_70, %add3A_77 : vector<16xi32>
      %select_n3A_79 = arith.select %le3A_75, %add3A_78, %select_n3A_70 : vector<16xi1>, vector<16xi32>
      %add3A_80 = arith.constant 7 : i32
      %add3A_81 = vector.broadcast %add3A_80 : i32 to vector<16xi32>
      %add3A_82 = arith.addi %select_n3A_79, %add3A_81 : vector<16xi32>
      %gather3A_83 = tpu.vector_load_idx %arg6[%add3A_82] : memref<1024xf32, #tpu.memory_space<vmem>>[vector<16xi32>], vector<16xf32>,
      %le3A_84 = arith.cmpf ole, %gather3A_83, %get3A_26 : vector<16xf32>
      %add3A_85 = arith.constant 8 : i32
      %add3A_86 = vector.broadcast %add3A_85 : i32 to vector<16xi32>
      %add3A_87 = arith.addi %select_n3A_79, %add3A_86 : vector<16xi32>
      %select_n3A_88 = arith.select %le3A_84, %add3A_87, %select_n3A_79 : vector<16xi1>, vector<16xi32>
      %add3A_89 = arith.constant 3 : i32
      %add3A_90 = vector.broadcast %add3A_89 : i32 to vector<16xi32>
      %add3A_91 = arith.addi %select_n3A_88, %add3A_90 : vector<16xi32>
      %gather3A_92 = tpu.vector_load_idx %arg6[%add3A_91] : memref<1024xf32, #tpu.memory_space<vmem>>[vector<16xi32>], vector<16xf32>,
      %le3A_93 = arith.cmpf ole, %gather3A_92, %get3A_26 : vector<16xf32>
      %add3A_94 = arith.constant 4 : i32
      %add3A_95 = vector.broadcast %add3A_94 : i32 to vector<16xi32>
      %add3A_96 = arith.addi %select_n3A_88, %add3A_95 : vector<16xi32>
      %select_n3A_97 = arith.select %le3A_93, %add3A_96, %select_n3A_88 : vector<16xi1>, vector<16xi32>
      %add3A_98 = arith.constant 1 : i32
      %add3A_99 = vector.broadcast %add3A_98 : i32 to vector<16xi32>
      %add3A_100 = arith.addi %select_n3A_97, %add3A_99 : vector<16xi32>
      %gather3A_101 = tpu.vector_load_idx %arg6[%add3A_100] : memref<1024xf32, #tpu.memory_space<vmem>>[vector<16xi32>], vector<16xf32>,
      %le3A_102 = arith.cmpf ole, %gather3A_101, %get3A_26 : vector<16xf32>
      %add3A_103 = arith.constant 2 : i32
      %add3A_104 = vector.broadcast %add3A_103 : i32 to vector<16xi32>
      %add3A_105 = arith.addi %select_n3A_97, %add3A_104 : vector<16xi32>
      %select_n3A_106 = arith.select %le3A_102, %add3A_105, %select_n3A_97 : vector<16xi1>, vector<16xi32>
      %add3A_107 = arith.constant 0 : i32
      %add3A_108 = vector.broadcast %add3A_107 : i32 to vector<16xi32>
      %add3A_109 = arith.addi %select_n3A_106, %add3A_108 : vector<16xi32>
      %gather3A_110 = tpu.vector_load_idx %arg6[%add3A_109] : memref<1024xf32, #tpu.memory_space<vmem>>[vector<16xi32>], vector<16xf32>,
      %le3A_111 = arith.cmpf ole, %gather3A_110, %get3A_26 : vector<16xf32>
      %add3A_112 = arith.constant 1 : i32
      %add3A_113 = vector.broadcast %add3A_112 : i32 to vector<16xi32>
      %add3A_114 = arith.addi %select_n3A_106, %add3A_113 : vector<16xi32>
      %select_n3A_115 = arith.select %le3A_111, %add3A_114, %select_n3A_106 : vector<16xi1>, vector<16xi32>
      %sub3A = arith.constant 15 : i32
      %sub3A_116 = vector.broadcast %sub3A : i32 to vector<16xi32>
      %sub3A_117 = arith.subi %select_n3A_115, %sub3A_116 : vector<16xi32>
      %jit3A = arith.constant 0 : i32
      %jit3A_118 = arith.constant 992 : i32
      %max3A = vector.broadcast %jit3A : i32 to vector<16xi32>
      %max3A_119 = arith.maxsi %max3A, %sub3A_117 : vector<16xi32>
      %min3A = vector.broadcast %jit3A_118 : i32 to vector<16xi32>
      %min3A_120 = arith.minsi %min3A, %max3A_119 : vector<16xi32>
      %broadcast_in_dim3A_121 = arith.constant 0x7F800000 : f32
      %broadcast_in_dim3A_122 = vector.broadcast %broadcast_in_dim3A_121 : f32 to vector<16xf32>
      %broadcast_in_dim3A_123 = arith.constant 1073741824 : i32
      %broadcast_in_dim3A_124 = vector.broadcast %broadcast_in_dim3A_123 : i32 to vector<16xi32>
      %add3A_125 = arith.constant 0 : i32
      %add3A_126 = vector.broadcast %add3A_125 : i32 to vector<16xi32>
      %add3A_127 = arith.addi %min3A_120, %add3A_126 : vector<16xi32>
      %gather3A_128 = tpu.vector_load_idx %arg6[%add3A_127] : memref<1024xf32, #tpu.memory_space<vmem>>[vector<16xi32>], vector<16xf32>,
      %gather3A_129 = tpu.vector_load_idx %arg7[%add3A_127] : memref<1024xi32, #tpu.memory_space<vmem>>[vector<16xi32>], vector<16xi32>,
      %mul3A_130 = arith.mulf %get3A_26, %gather3A_128 : vector<16xf32>
      %mul3A_131 = arith.constant 2.000000e+00 : f32
      %mul3A_132 = vector.broadcast %mul3A_131 : f32 to vector<16xf32>
      %mul3A_133 = arith.mulf %mul3A_132, %mul3A_130 : vector<16xf32>
      %sub3A_134 = arith.subf %mul3A_27, %mul3A_133 : vector<16xf32>
      %mul3A_135 = arith.mulf %gather3A_128, %gather3A_128 : vector<16xf32>
      %add3A_136 = arith.addf %sub3A_134, %mul3A_135 : vector<16xf32>
      %lt3A = arith.cmpf olt, %add3A_136, %broadcast_in_dim3A_122 : vector<16xf32>
      %eq3A = arith.cmpf oeq, %add3A_136, %broadcast_in_dim3A_122 : vector<16xf32>
      %lt3A_137 = arith.cmpi slt, %gather3A_129, %broadcast_in_dim3A_124 : vector<16xi32>
      %and3A = arith.andi %eq3A, %lt3A_137 : vector<16xi1>
      %or3A = arith.ori %lt3A, %and3A : vector<16xi1>
      %select_n3A_138 = arith.select %or3A, %add3A_136, %broadcast_in_dim3A_122 : vector<16xi1>, vector<16xf32>
      %select_n3A_139 = arith.select %or3A, %gather3A_129, %broadcast_in_dim3A_124 : vector<16xi1>, vector<16xi32>
      %add3A_140 = arith.constant 1 : i32
      %add3A_141 = vector.broadcast %add3A_140 : i32 to vector<16xi32>
      %add3A_142 = arith.addi %min3A_120, %add3A_141 : vector<16xi32>
      %gather3A_143 = tpu.vector_load_idx %arg6[%add3A_142] : memref<1024xf32, #tpu.memory_space<vmem>>[vector<16xi32>], vector<16xf32>,
      %gather3A_144 = tpu.vector_load_idx %arg7[%add3A_142] : memref<1024xi32, #tpu.memory_space<vmem>>[vector<16xi32>], vector<16xi32>,
      %mul3A_145 = arith.mulf %get3A_26, %gather3A_143 : vector<16xf32>
      %mul3A_146 = arith.constant 2.000000e+00 : f32
      %mul3A_147 = vector.broadcast %mul3A_146 : f32 to vector<16xf32>
      %mul3A_148 = arith.mulf %mul3A_147, %mul3A_145 : vector<16xf32>
      %sub3A_149 = arith.subf %mul3A_27, %mul3A_148 : vector<16xf32>
      %mul3A_150 = arith.mulf %gather3A_143, %gather3A_143 : vector<16xf32>
      %add3A_151 = arith.addf %sub3A_149, %mul3A_150 : vector<16xf32>
      %lt3A_152 = arith.cmpf olt, %add3A_151, %select_n3A_138 : vector<16xf32>
      %eq3A_153 = arith.cmpf oeq, %add3A_151, %select_n3A_138 : vector<16xf32>
      %lt3A_154 = arith.cmpi slt, %gather3A_144, %select_n3A_139 : vector<16xi32>
      %and3A_155 = arith.andi %eq3A_153, %lt3A_154 : vector<16xi1>
      %or3A_156 = arith.ori %lt3A_152, %and3A_155 : vector<16xi1>
      %select_n3A_157 = arith.select %or3A_156, %add3A_151, %select_n3A_138 : vector<16xi1>, vector<16xf32>
      %select_n3A_158 = arith.select %or3A_156, %gather3A_144, %select_n3A_139 : vector<16xi1>, vector<16xi32>
      %add3A_159 = arith.constant 2 : i32
      %add3A_160 = vector.broadcast %add3A_159 : i32 to vector<16xi32>
      %add3A_161 = arith.addi %min3A_120, %add3A_160 : vector<16xi32>
      %gather3A_162 = tpu.vector_load_idx %arg6[%add3A_161] : memref<1024xf32, #tpu.memory_space<vmem>>[vector<16xi32>], vector<16xf32>,
      %gather3A_163 = tpu.vector_load_idx %arg7[%add3A_161] : memref<1024xi32, #tpu.memory_space<vmem>>[vector<16xi32>], vector<16xi32>,
      %mul3A_164 = arith.mulf %get3A_26, %gather3A_162 : vector<16xf32>
      %mul3A_165 = arith.constant 2.000000e+00 : f32
      %mul3A_166 = vector.broadcast %mul3A_165 : f32 to vector<16xf32>
      %mul3A_167 = arith.mulf %mul3A_166, %mul3A_164 : vector<16xf32>
      %sub3A_168 = arith.subf %mul3A_27, %mul3A_167 : vector<16xf32>
      %mul3A_169 = arith.mulf %gather3A_162, %gather3A_162 : vector<16xf32>
      %add3A_170 = arith.addf %sub3A_168, %mul3A_169 : vector<16xf32>
      %lt3A_171 = arith.cmpf olt, %add3A_170, %select_n3A_157 : vector<16xf32>
      %eq3A_172 = arith.cmpf oeq, %add3A_170, %select_n3A_157 : vector<16xf32>
      %lt3A_173 = arith.cmpi slt, %gather3A_163, %select_n3A_158 : vector<16xi32>
      %and3A_174 = arith.andi %eq3A_172, %lt3A_173 : vector<16xi1>
      %or3A_175 = arith.ori %lt3A_171, %and3A_174 : vector<16xi1>
      %select_n3A_176 = arith.select %or3A_175, %add3A_170, %select_n3A_157 : vector<16xi1>, vector<16xf32>
      %select_n3A_177 = arith.select %or3A_175, %gather3A_163, %select_n3A_158 : vector<16xi1>, vector<16xi32>
      %add3A_178 = arith.constant 3 : i32
      %add3A_179 = vector.broadcast %add3A_178 : i32 to vector<16xi32>
      %add3A_180 = arith.addi %min3A_120, %add3A_179 : vector<16xi32>
      %gather3A_181 = tpu.vector_load_idx %arg6[%add3A_180] : memref<1024xf32, #tpu.memory_space<vmem>>[vector<16xi32>], vector<16xf32>,
      %gather3A_182 = tpu.vector_load_idx %arg7[%add3A_180] : memref<1024xi32, #tpu.memory_space<vmem>>[vector<16xi32>], vector<16xi32>,
      %mul3A_183 = arith.mulf %get3A_26, %gather3A_181 : vector<16xf32>
      %mul3A_184 = arith.constant 2.000000e+00 : f32
      %mul3A_185 = vector.broadcast %mul3A_184 : f32 to vector<16xf32>
      %mul3A_186 = arith.mulf %mul3A_185, %mul3A_183 : vector<16xf32>
      %sub3A_187 = arith.subf %mul3A_27, %mul3A_186 : vector<16xf32>
      %mul3A_188 = arith.mulf %gather3A_181, %gather3A_181 : vector<16xf32>
      %add3A_189 = arith.addf %sub3A_187, %mul3A_188 : vector<16xf32>
      %lt3A_190 = arith.cmpf olt, %add3A_189, %select_n3A_176 : vector<16xf32>
      %eq3A_191 = arith.cmpf oeq, %add3A_189, %select_n3A_176 : vector<16xf32>
      %lt3A_192 = arith.cmpi slt, %gather3A_182, %select_n3A_177 : vector<16xi32>
      %and3A_193 = arith.andi %eq3A_191, %lt3A_192 : vector<16xi1>
      %or3A_194 = arith.ori %lt3A_190, %and3A_193 : vector<16xi1>
      %select_n3A_195 = arith.select %or3A_194, %add3A_189, %select_n3A_176 : vector<16xi1>, vector<16xf32>
      %select_n3A_196 = arith.select %or3A_194, %gather3A_182, %select_n3A_177 : vector<16xi1>, vector<16xi32>
      %add3A_197 = arith.constant 4 : i32
      %add3A_198 = vector.broadcast %add3A_197 : i32 to vector<16xi32>
      %add3A_199 = arith.addi %min3A_120, %add3A_198 : vector<16xi32>
      %gather3A_200 = tpu.vector_load_idx %arg6[%add3A_199] : memref<1024xf32, #tpu.memory_space<vmem>>[vector<16xi32>], vector<16xf32>,
      %gather3A_201 = tpu.vector_load_idx %arg7[%add3A_199] : memref<1024xi32, #tpu.memory_space<vmem>>[vector<16xi32>], vector<16xi32>,
      %mul3A_202 = arith.mulf %get3A_26, %gather3A_200 : vector<16xf32>
      %mul3A_203 = arith.constant 2.000000e+00 : f32
      %mul3A_204 = vector.broadcast %mul3A_203 : f32 to vector<16xf32>
      %mul3A_205 = arith.mulf %mul3A_204, %mul3A_202 : vector<16xf32>
      %sub3A_206 = arith.subf %mul3A_27, %mul3A_205 : vector<16xf32>
      %mul3A_207 = arith.mulf %gather3A_200, %gather3A_200 : vector<16xf32>
      %add3A_208 = arith.addf %sub3A_206, %mul3A_207 : vector<16xf32>
      %lt3A_209 = arith.cmpf olt, %add3A_208, %select_n3A_195 : vector<16xf32>
      %eq3A_210 = arith.cmpf oeq, %add3A_208, %select_n3A_195 : vector<16xf32>
      %lt3A_211 = arith.cmpi slt, %gather3A_201, %select_n3A_196 : vector<16xi32>
      %and3A_212 = arith.andi %eq3A_210, %lt3A_211 : vector<16xi1>
      %or3A_213 = arith.ori %lt3A_209, %and3A_212 : vector<16xi1>
      %select_n3A_214 = arith.select %or3A_213, %add3A_208, %select_n3A_195 : vector<16xi1>, vector<16xf32>
      %select_n3A_215 = arith.select %or3A_213, %gather3A_201, %select_n3A_196 : vector<16xi1>, vector<16xi32>
      %add3A_216 = arith.constant 5 : i32
      %add3A_217 = vector.broadcast %add3A_216 : i32 to vector<16xi32>
      %add3A_218 = arith.addi %min3A_120, %add3A_217 : vector<16xi32>
      %gather3A_219 = tpu.vector_load_idx %arg6[%add3A_218] : memref<1024xf32, #tpu.memory_space<vmem>>[vector<16xi32>], vector<16xf32>,
      %gather3A_220 = tpu.vector_load_idx %arg7[%add3A_218] : memref<1024xi32, #tpu.memory_space<vmem>>[vector<16xi32>], vector<16xi32>,
      %mul3A_221 = arith.mulf %get3A_26, %gather3A_219 : vector<16xf32>
      %mul3A_222 = arith.constant 2.000000e+00 : f32
      %mul3A_223 = vector.broadcast %mul3A_222 : f32 to vector<16xf32>
      %mul3A_224 = arith.mulf %mul3A_223, %mul3A_221 : vector<16xf32>
      %sub3A_225 = arith.subf %mul3A_27, %mul3A_224 : vector<16xf32>
      %mul3A_226 = arith.mulf %gather3A_219, %gather3A_219 : vector<16xf32>
      %add3A_227 = arith.addf %sub3A_225, %mul3A_226 : vector<16xf32>
      %lt3A_228 = arith.cmpf olt, %add3A_227, %select_n3A_214 : vector<16xf32>
      %eq3A_229 = arith.cmpf oeq, %add3A_227, %select_n3A_214 : vector<16xf32>
      %lt3A_230 = arith.cmpi slt, %gather3A_220, %select_n3A_215 : vector<16xi32>
      %and3A_231 = arith.andi %eq3A_229, %lt3A_230 : vector<16xi1>
      %or3A_232 = arith.ori %lt3A_228, %and3A_231 : vector<16xi1>
      %select_n3A_233 = arith.select %or3A_232, %add3A_227, %select_n3A_214 : vector<16xi1>, vector<16xf32>
      %select_n3A_234 = arith.select %or3A_232, %gather3A_220, %select_n3A_215 : vector<16xi1>, vector<16xi32>
      %add3A_235 = arith.constant 6 : i32
      %add3A_236 = vector.broadcast %add3A_235 : i32 to vector<16xi32>
      %add3A_237 = arith.addi %min3A_120, %add3A_236 : vector<16xi32>
      %gather3A_238 = tpu.vector_load_idx %arg6[%add3A_237] : memref<1024xf32, #tpu.memory_space<vmem>>[vector<16xi32>], vector<16xf32>,
      %gather3A_239 = tpu.vector_load_idx %arg7[%add3A_237] : memref<1024xi32, #tpu.memory_space<vmem>>[vector<16xi32>], vector<16xi32>,
      %mul3A_240 = arith.mulf %get3A_26, %gather3A_238 : vector<16xf32>
      %mul3A_241 = arith.constant 2.000000e+00 : f32
      %mul3A_242 = vector.broadcast %mul3A_241 : f32 to vector<16xf32>
      %mul3A_243 = arith.mulf %mul3A_242, %mul3A_240 : vector<16xf32>
      %sub3A_244 = arith.subf %mul3A_27, %mul3A_243 : vector<16xf32>
      %mul3A_245 = arith.mulf %gather3A_238, %gather3A_238 : vector<16xf32>
      %add3A_246 = arith.addf %sub3A_244, %mul3A_245 : vector<16xf32>
      %lt3A_247 = arith.cmpf olt, %add3A_246, %select_n3A_233 : vector<16xf32>
      %eq3A_248 = arith.cmpf oeq, %add3A_246, %select_n3A_233 : vector<16xf32>
      %lt3A_249 = arith.cmpi slt, %gather3A_239, %select_n3A_234 : vector<16xi32>
      %and3A_250 = arith.andi %eq3A_248, %lt3A_249 : vector<16xi1>
      %or3A_251 = arith.ori %lt3A_247, %and3A_250 : vector<16xi1>
      %select_n3A_252 = arith.select %or3A_251, %add3A_246, %select_n3A_233 : vector<16xi1>, vector<16xf32>
      %select_n3A_253 = arith.select %or3A_251, %gather3A_239, %select_n3A_234 : vector<16xi1>, vector<16xi32>
      %add3A_254 = arith.constant 7 : i32
      %add3A_255 = vector.broadcast %add3A_254 : i32 to vector<16xi32>
      %add3A_256 = arith.addi %min3A_120, %add3A_255 : vector<16xi32>
      %gather3A_257 = tpu.vector_load_idx %arg6[%add3A_256] : memref<1024xf32, #tpu.memory_space<vmem>>[vector<16xi32>], vector<16xf32>,
      %gather3A_258 = tpu.vector_load_idx %arg7[%add3A_256] : memref<1024xi32, #tpu.memory_space<vmem>>[vector<16xi32>], vector<16xi32>,
      %mul3A_259 = arith.mulf %get3A_26, %gather3A_257 : vector<16xf32>
      %mul3A_260 = arith.constant 2.000000e+00 : f32
      %mul3A_261 = vector.broadcast %mul3A_260 : f32 to vector<16xf32>
      %mul3A_262 = arith.mulf %mul3A_261, %mul3A_259 : vector<16xf32>
      %sub3A_263 = arith.subf %mul3A_27, %mul3A_262 : vector<16xf32>
      %mul3A_264 = arith.mulf %gather3A_257, %gather3A_257 : vector<16xf32>
      %add3A_265 = arith.addf %sub3A_263, %mul3A_264 : vector<16xf32>
      %lt3A_266 = arith.cmpf olt, %add3A_265, %select_n3A_252 : vector<16xf32>
      %eq3A_267 = arith.cmpf oeq, %add3A_265, %select_n3A_252 : vector<16xf32>
      %lt3A_268 = arith.cmpi slt, %gather3A_258, %select_n3A_253 : vector<16xi32>
      %and3A_269 = arith.andi %eq3A_267, %lt3A_268 : vector<16xi1>
      %or3A_270 = arith.ori %lt3A_266, %and3A_269 : vector<16xi1>
      %select_n3A_271 = arith.select %or3A_270, %add3A_265, %select_n3A_252 : vector<16xi1>, vector<16xf32>
      %select_n3A_272 = arith.select %or3A_270, %gather3A_258, %select_n3A_253 : vector<16xi1>, vector<16xi32>
      %add3A_273 = arith.constant 8 : i32
      %add3A_274 = vector.broadcast %add3A_273 : i32 to vector<16xi32>
      %add3A_275 = arith.addi %min3A_120, %add3A_274 : vector<16xi32>
      %gather3A_276 = tpu.vector_load_idx %arg6[%add3A_275] : memref<1024xf32, #tpu.memory_space<vmem>>[vector<16xi32>], vector<16xf32>,
      %gather3A_277 = tpu.vector_load_idx %arg7[%add3A_275] : memref<1024xi32, #tpu.memory_space<vmem>>[vector<16xi32>], vector<16xi32>,
      %mul3A_278 = arith.mulf %get3A_26, %gather3A_276 : vector<16xf32>
      %mul3A_279 = arith.constant 2.000000e+00 : f32
      %mul3A_280 = vector.broadcast %mul3A_279 : f32 to vector<16xf32>
      %mul3A_281 = arith.mulf %mul3A_280, %mul3A_278 : vector<16xf32>
      %sub3A_282 = arith.subf %mul3A_27, %mul3A_281 : vector<16xf32>
      %mul3A_283 = arith.mulf %gather3A_276, %gather3A_276 : vector<16xf32>
      %add3A_284 = arith.addf %sub3A_282, %mul3A_283 : vector<16xf32>
      %lt3A_285 = arith.cmpf olt, %add3A_284, %select_n3A_271 : vector<16xf32>
      %eq3A_286 = arith.cmpf oeq, %add3A_284, %select_n3A_271 : vector<16xf32>
      %lt3A_287 = arith.cmpi slt, %gather3A_277, %select_n3A_272 : vector<16xi32>
      %and3A_288 = arith.andi %eq3A_286, %lt3A_287 : vector<16xi1>
      %or3A_289 = arith.ori %lt3A_285, %and3A_288 : vector<16xi1>
      %select_n3A_290 = arith.select %or3A_289, %add3A_284, %select_n3A_271 : vector<16xi1>, vector<16xf32>
      %select_n3A_291 = arith.select %or3A_289, %gather3A_277, %select_n3A_272 : vector<16xi1>, vector<16xi32>
      %add3A_292 = arith.constant 9 : i32
      %add3A_293 = vector.broadcast %add3A_292 : i32 to vector<16xi32>
      %add3A_294 = arith.addi %min3A_120, %add3A_293 : vector<16xi32>
      %gather3A_295 = tpu.vector_load_idx %arg6[%add3A_294] : memref<1024xf32, #tpu.memory_space<vmem>>[vector<16xi32>], vector<16xf32>,
      %gather3A_296 = tpu.vector_load_idx %arg7[%add3A_294] : memref<1024xi32, #tpu.memory_space<vmem>>[vector<16xi32>], vector<16xi32>,
      %mul3A_297 = arith.mulf %get3A_26, %gather3A_295 : vector<16xf32>
      %mul3A_298 = arith.constant 2.000000e+00 : f32
      %mul3A_299 = vector.broadcast %mul3A_298 : f32 to vector<16xf32>
      %mul3A_300 = arith.mulf %mul3A_299, %mul3A_297 : vector<16xf32>
      %sub3A_301 = arith.subf %mul3A_27, %mul3A_300 : vector<16xf32>
      %mul3A_302 = arith.mulf %gather3A_295, %gather3A_295 : vector<16xf32>
      %add3A_303 = arith.addf %sub3A_301, %mul3A_302 : vector<16xf32>
      %lt3A_304 = arith.cmpf olt, %add3A_303, %select_n3A_290 : vector<16xf32>
      %eq3A_305 = arith.cmpf oeq, %add3A_303, %select_n3A_290 : vector<16xf32>
      %lt3A_306 = arith.cmpi slt, %gather3A_296, %select_n3A_291 : vector<16xi32>
      %and3A_307 = arith.andi %eq3A_305, %lt3A_306 : vector<16xi1>
      %or3A_308 = arith.ori %lt3A_304, %and3A_307 : vector<16xi1>
      %select_n3A_309 = arith.select %or3A_308, %add3A_303, %select_n3A_290 : vector<16xi1>, vector<16xf32>
      %select_n3A_310 = arith.select %or3A_308, %gather3A_296, %select_n3A_291 : vector<16xi1>, vector<16xi32>
      %add3A_311 = arith.constant 10 : i32
      %add3A_312 = vector.broadcast %add3A_311 : i32 to vector<16xi32>
      %add3A_313 = arith.addi %min3A_120, %add3A_312 : vector<16xi32>
      %gather3A_314 = tpu.vector_load_idx %arg6[%add3A_313] : memref<1024xf32, #tpu.memory_space<vmem>>[vector<16xi32>], vector<16xf32>,
      %gather3A_315 = tpu.vector_load_idx %arg7[%add3A_313] : memref<1024xi32, #tpu.memory_space<vmem>>[vector<16xi32>], vector<16xi32>,
      %mul3A_316 = arith.mulf %get3A_26, %gather3A_314 : vector<16xf32>
      %mul3A_317 = arith.constant 2.000000e+00 : f32
      %mul3A_318 = vector.broadcast %mul3A_317 : f32 to vector<16xf32>
      %mul3A_319 = arith.mulf %mul3A_318, %mul3A_316 : vector<16xf32>
      %sub3A_320 = arith.subf %mul3A_27, %mul3A_319 : vector<16xf32>
      %mul3A_321 = arith.mulf %gather3A_314, %gather3A_314 : vector<16xf32>
      %add3A_322 = arith.addf %sub3A_320, %mul3A_321 : vector<16xf32>
      %lt3A_323 = arith.cmpf olt, %add3A_322, %select_n3A_309 : vector<16xf32>
      %eq3A_324 = arith.cmpf oeq, %add3A_322, %select_n3A_309 : vector<16xf32>
      %lt3A_325 = arith.cmpi slt, %gather3A_315, %select_n3A_310 : vector<16xi32>
      %and3A_326 = arith.andi %eq3A_324, %lt3A_325 : vector<16xi1>
      %or3A_327 = arith.ori %lt3A_323, %and3A_326 : vector<16xi1>
      %select_n3A_328 = arith.select %or3A_327, %add3A_322, %select_n3A_309 : vector<16xi1>, vector<16xf32>
      %select_n3A_329 = arith.select %or3A_327, %gather3A_315, %select_n3A_310 : vector<16xi1>, vector<16xi32>
      %add3A_330 = arith.constant 11 : i32
      %add3A_331 = vector.broadcast %add3A_330 : i32 to vector<16xi32>
      %add3A_332 = arith.addi %min3A_120, %add3A_331 : vector<16xi32>
      %gather3A_333 = tpu.vector_load_idx %arg6[%add3A_332] : memref<1024xf32, #tpu.memory_space<vmem>>[vector<16xi32>], vector<16xf32>,
      %gather3A_334 = tpu.vector_load_idx %arg7[%add3A_332] : memref<1024xi32, #tpu.memory_space<vmem>>[vector<16xi32>], vector<16xi32>,
      %mul3A_335 = arith.mulf %get3A_26, %gather3A_333 : vector<16xf32>
      %mul3A_336 = arith.constant 2.000000e+00 : f32
      %mul3A_337 = vector.broadcast %mul3A_336 : f32 to vector<16xf32>
      %mul3A_338 = arith.mulf %mul3A_337, %mul3A_335 : vector<16xf32>
      %sub3A_339 = arith.subf %mul3A_27, %mul3A_338 : vector<16xf32>
      %mul3A_340 = arith.mulf %gather3A_333, %gather3A_333 : vector<16xf32>
      %add3A_341 = arith.addf %sub3A_339, %mul3A_340 : vector<16xf32>
      %lt3A_342 = arith.cmpf olt, %add3A_341, %select_n3A_328 : vector<16xf32>
      %eq3A_343 = arith.cmpf oeq, %add3A_341, %select_n3A_328 : vector<16xf32>
      %lt3A_344 = arith.cmpi slt, %gather3A_334, %select_n3A_329 : vector<16xi32>
      %and3A_345 = arith.andi %eq3A_343, %lt3A_344 : vector<16xi1>
      %or3A_346 = arith.ori %lt3A_342, %and3A_345 : vector<16xi1>
      %select_n3A_347 = arith.select %or3A_346, %add3A_341, %select_n3A_328 : vector<16xi1>, vector<16xf32>
      %select_n3A_348 = arith.select %or3A_346, %gather3A_334, %select_n3A_329 : vector<16xi1>, vector<16xi32>
      %add3A_349 = arith.constant 12 : i32
      %add3A_350 = vector.broadcast %add3A_349 : i32 to vector<16xi32>
      %add3A_351 = arith.addi %min3A_120, %add3A_350 : vector<16xi32>
      %gather3A_352 = tpu.vector_load_idx %arg6[%add3A_351] : memref<1024xf32, #tpu.memory_space<vmem>>[vector<16xi32>], vector<16xf32>,
      %gather3A_353 = tpu.vector_load_idx %arg7[%add3A_351] : memref<1024xi32, #tpu.memory_space<vmem>>[vector<16xi32>], vector<16xi32>,
      %mul3A_354 = arith.mulf %get3A_26, %gather3A_352 : vector<16xf32>
      %mul3A_355 = arith.constant 2.000000e+00 : f32
      %mul3A_356 = vector.broadcast %mul3A_355 : f32 to vector<16xf32>
      %mul3A_357 = arith.mulf %mul3A_356, %mul3A_354 : vector<16xf32>
      %sub3A_358 = arith.subf %mul3A_27, %mul3A_357 : vector<16xf32>
      %mul3A_359 = arith.mulf %gather3A_352, %gather3A_352 : vector<16xf32>
      %add3A_360 = arith.addf %sub3A_358, %mul3A_359 : vector<16xf32>
      %lt3A_361 = arith.cmpf olt, %add3A_360, %select_n3A_347 : vector<16xf32>
      %eq3A_362 = arith.cmpf oeq, %add3A_360, %select_n3A_347 : vector<16xf32>
      %lt3A_363 = arith.cmpi slt, %gather3A_353, %select_n3A_348 : vector<16xi32>
      %and3A_364 = arith.andi %eq3A_362, %lt3A_363 : vector<16xi1>
      %or3A_365 = arith.ori %lt3A_361, %and3A_364 : vector<16xi1>
      %select_n3A_366 = arith.select %or3A_365, %add3A_360, %select_n3A_347 : vector<16xi1>, vector<16xf32>
      %select_n3A_367 = arith.select %or3A_365, %gather3A_353, %select_n3A_348 : vector<16xi1>, vector<16xi32>
      %add3A_368 = arith.constant 13 : i32
      %add3A_369 = vector.broadcast %add3A_368 : i32 to vector<16xi32>
      %add3A_370 = arith.addi %min3A_120, %add3A_369 : vector<16xi32>
      %gather3A_371 = tpu.vector_load_idx %arg6[%add3A_370] : memref<1024xf32, #tpu.memory_space<vmem>>[vector<16xi32>], vector<16xf32>,
      %gather3A_372 = tpu.vector_load_idx %arg7[%add3A_370] : memref<1024xi32, #tpu.memory_space<vmem>>[vector<16xi32>], vector<16xi32>,
      %mul3A_373 = arith.mulf %get3A_26, %gather3A_371 : vector<16xf32>
      %mul3A_374 = arith.constant 2.000000e+00 : f32
      %mul3A_375 = vector.broadcast %mul3A_374 : f32 to vector<16xf32>
      %mul3A_376 = arith.mulf %mul3A_375, %mul3A_373 : vector<16xf32>
      %sub3A_377 = arith.subf %mul3A_27, %mul3A_376 : vector<16xf32>
      %mul3A_378 = arith.mulf %gather3A_371, %gather3A_371 : vector<16xf32>
      %add3A_379 = arith.addf %sub3A_377, %mul3A_378 : vector<16xf32>
      %lt3A_380 = arith.cmpf olt, %add3A_379, %select_n3A_366 : vector<16xf32>
      %eq3A_381 = arith.cmpf oeq, %add3A_379, %select_n3A_366 : vector<16xf32>
      %lt3A_382 = arith.cmpi slt, %gather3A_372, %select_n3A_367 : vector<16xi32>
      %and3A_383 = arith.andi %eq3A_381, %lt3A_382 : vector<16xi1>
      %or3A_384 = arith.ori %lt3A_380, %and3A_383 : vector<16xi1>
      %select_n3A_385 = arith.select %or3A_384, %add3A_379, %select_n3A_366 : vector<16xi1>, vector<16xf32>
      %select_n3A_386 = arith.select %or3A_384, %gather3A_372, %select_n3A_367 : vector<16xi1>, vector<16xi32>
      %add3A_387 = arith.constant 14 : i32
      %add3A_388 = vector.broadcast %add3A_387 : i32 to vector<16xi32>
      %add3A_389 = arith.addi %min3A_120, %add3A_388 : vector<16xi32>
      %gather3A_390 = tpu.vector_load_idx %arg6[%add3A_389] : memref<1024xf32, #tpu.memory_space<vmem>>[vector<16xi32>], vector<16xf32>,
      %gather3A_391 = tpu.vector_load_idx %arg7[%add3A_389] : memref<1024xi32, #tpu.memory_space<vmem>>[vector<16xi32>], vector<16xi32>,
      %mul3A_392 = arith.mulf %get3A_26, %gather3A_390 : vector<16xf32>
      %mul3A_393 = arith.constant 2.000000e+00 : f32
      %mul3A_394 = vector.broadcast %mul3A_393 : f32 to vector<16xf32>
      %mul3A_395 = arith.mulf %mul3A_394, %mul3A_392 : vector<16xf32>
      %sub3A_396 = arith.subf %mul3A_27, %mul3A_395 : vector<16xf32>
      %mul3A_397 = arith.mulf %gather3A_390, %gather3A_390 : vector<16xf32>
      %add3A_398 = arith.addf %sub3A_396, %mul3A_397 : vector<16xf32>
      %lt3A_399 = arith.cmpf olt, %add3A_398, %select_n3A_385 : vector<16xf32>
      %eq3A_400 = arith.cmpf oeq, %add3A_398, %select_n3A_385 : vector<16xf32>
      %lt3A_401 = arith.cmpi slt, %gather3A_391, %select_n3A_386 : vector<16xi32>
      %and3A_402 = arith.andi %eq3A_400, %lt3A_401 : vector<16xi1>
      %or3A_403 = arith.ori %lt3A_399, %and3A_402 : vector<16xi1>
      %select_n3A_404 = arith.select %or3A_403, %add3A_398, %select_n3A_385 : vector<16xi1>, vector<16xf32>
      %select_n3A_405 = arith.select %or3A_403, %gather3A_391, %select_n3A_386 : vector<16xi1>, vector<16xi32>
      %add3A_406 = arith.constant 15 : i32
      %add3A_407 = vector.broadcast %add3A_406 : i32 to vector<16xi32>
      %add3A_408 = arith.addi %min3A_120, %add3A_407 : vector<16xi32>
      %gather3A_409 = tpu.vector_load_idx %arg6[%add3A_408] : memref<1024xf32, #tpu.memory_space<vmem>>[vector<16xi32>], vector<16xf32>,
      %gather3A_410 = tpu.vector_load_idx %arg7[%add3A_408] : memref<1024xi32, #tpu.memory_space<vmem>>[vector<16xi32>], vector<16xi32>,
      %mul3A_411 = arith.mulf %get3A_26, %gather3A_409 : vector<16xf32>
      %mul3A_412 = arith.constant 2.000000e+00 : f32
      %mul3A_413 = vector.broadcast %mul3A_412 : f32 to vector<16xf32>
      %mul3A_414 = arith.mulf %mul3A_413, %mul3A_411 : vector<16xf32>
      %sub3A_415 = arith.subf %mul3A_27, %mul3A_414 : vector<16xf32>
      %mul3A_416 = arith.mulf %gather3A_409, %gather3A_409 : vector<16xf32>
      %add3A_417 = arith.addf %sub3A_415, %mul3A_416 : vector<16xf32>
      %lt3A_418 = arith.cmpf olt, %add3A_417, %select_n3A_404 : vector<16xf32>
      %eq3A_419 = arith.cmpf oeq, %add3A_417, %select_n3A_404 : vector<16xf32>
      %lt3A_420 = arith.cmpi slt, %gather3A_410, %select_n3A_405 : vector<16xi32>
      %and3A_421 = arith.andi %eq3A_419, %lt3A_420 : vector<16xi1>
      %or3A_422 = arith.ori %lt3A_418, %and3A_421 : vector<16xi1>
      %select_n3A_423 = arith.select %or3A_422, %add3A_417, %select_n3A_404 : vector<16xi1>, vector<16xf32>
      %select_n3A_424 = arith.select %or3A_422, %gather3A_410, %select_n3A_405 : vector<16xi1>, vector<16xi32>
      %add3A_425 = arith.constant 16 : i32
      %add3A_426 = vector.broadcast %add3A_425 : i32 to vector<16xi32>
      %add3A_427 = arith.addi %min3A_120, %add3A_426 : vector<16xi32>
      %gather3A_428 = tpu.vector_load_idx %arg6[%add3A_427] : memref<1024xf32, #tpu.memory_space<vmem>>[vector<16xi32>], vector<16xf32>,
      %gather3A_429 = tpu.vector_load_idx %arg7[%add3A_427] : memref<1024xi32, #tpu.memory_space<vmem>>[vector<16xi32>], vector<16xi32>,
      %mul3A_430 = arith.mulf %get3A_26, %gather3A_428 : vector<16xf32>
      %mul3A_431 = arith.constant 2.000000e+00 : f32
      %mul3A_432 = vector.broadcast %mul3A_431 : f32 to vector<16xf32>
      %mul3A_433 = arith.mulf %mul3A_432, %mul3A_430 : vector<16xf32>
      %sub3A_434 = arith.subf %mul3A_27, %mul3A_433 : vector<16xf32>
      %mul3A_435 = arith.mulf %gather3A_428, %gather3A_428 : vector<16xf32>
      %add3A_436 = arith.addf %sub3A_434, %mul3A_435 : vector<16xf32>
      %lt3A_437 = arith.cmpf olt, %add3A_436, %select_n3A_423 : vector<16xf32>
      %eq3A_438 = arith.cmpf oeq, %add3A_436, %select_n3A_423 : vector<16xf32>
      %lt3A_439 = arith.cmpi slt, %gather3A_429, %select_n3A_424 : vector<16xi32>
      %and3A_440 = arith.andi %eq3A_438, %lt3A_439 : vector<16xi1>
      %or3A_441 = arith.ori %lt3A_437, %and3A_440 : vector<16xi1>
      %select_n3A_442 = arith.select %or3A_441, %add3A_436, %select_n3A_423 : vector<16xi1>, vector<16xf32>
      %select_n3A_443 = arith.select %or3A_441, %gather3A_429, %select_n3A_424 : vector<16xi1>, vector<16xi32>
      %add3A_444 = arith.constant 17 : i32
      %add3A_445 = vector.broadcast %add3A_444 : i32 to vector<16xi32>
      %add3A_446 = arith.addi %min3A_120, %add3A_445 : vector<16xi32>
      %gather3A_447 = tpu.vector_load_idx %arg6[%add3A_446] : memref<1024xf32, #tpu.memory_space<vmem>>[vector<16xi32>], vector<16xf32>,
      %gather3A_448 = tpu.vector_load_idx %arg7[%add3A_446] : memref<1024xi32, #tpu.memory_space<vmem>>[vector<16xi32>], vector<16xi32>,
      %mul3A_449 = arith.mulf %get3A_26, %gather3A_447 : vector<16xf32>
      %mul3A_450 = arith.constant 2.000000e+00 : f32
      %mul3A_451 = vector.broadcast %mul3A_450 : f32 to vector<16xf32>
      %mul3A_452 = arith.mulf %mul3A_451, %mul3A_449 : vector<16xf32>
      %sub3A_453 = arith.subf %mul3A_27, %mul3A_452 : vector<16xf32>
      %mul3A_454 = arith.mulf %gather3A_447, %gather3A_447 : vector<16xf32>
      %add3A_455 = arith.addf %sub3A_453, %mul3A_454 : vector<16xf32>
      %lt3A_456 = arith.cmpf olt, %add3A_455, %select_n3A_442 : vector<16xf32>
      %eq3A_457 = arith.cmpf oeq, %add3A_455, %select_n3A_442 : vector<16xf32>
      %lt3A_458 = arith.cmpi slt, %gather3A_448, %select_n3A_443 : vector<16xi32>
      %and3A_459 = arith.andi %eq3A_457, %lt3A_458 : vector<16xi1>
      %or3A_460 = arith.ori %lt3A_456, %and3A_459 : vector<16xi1>
      %select_n3A_461 = arith.select %or3A_460, %add3A_455, %select_n3A_442 : vector<16xi1>, vector<16xf32>
      %select_n3A_462 = arith.select %or3A_460, %gather3A_448, %select_n3A_443 : vector<16xi1>, vector<16xi32>
      %add3A_463 = arith.constant 18 : i32
      %add3A_464 = vector.broadcast %add3A_463 : i32 to vector<16xi32>
      %add3A_465 = arith.addi %min3A_120, %add3A_464 : vector<16xi32>
      %gather3A_466 = tpu.vector_load_idx %arg6[%add3A_465] : memref<1024xf32, #tpu.memory_space<vmem>>[vector<16xi32>], vector<16xf32>,
      %gather3A_467 = tpu.vector_load_idx %arg7[%add3A_465] : memref<1024xi32, #tpu.memory_space<vmem>>[vector<16xi32>], vector<16xi32>,
      %mul3A_468 = arith.mulf %get3A_26, %gather3A_466 : vector<16xf32>
      %mul3A_469 = arith.constant 2.000000e+00 : f32
      %mul3A_470 = vector.broadcast %mul3A_469 : f32 to vector<16xf32>
      %mul3A_471 = arith.mulf %mul3A_470, %mul3A_468 : vector<16xf32>
      %sub3A_472 = arith.subf %mul3A_27, %mul3A_471 : vector<16xf32>
      %mul3A_473 = arith.mulf %gather3A_466, %gather3A_466 : vector<16xf32>
      %add3A_474 = arith.addf %sub3A_472, %mul3A_473 : vector<16xf32>
      %lt3A_475 = arith.cmpf olt, %add3A_474, %select_n3A_461 : vector<16xf32>
      %eq3A_476 = arith.cmpf oeq, %add3A_474, %select_n3A_461 : vector<16xf32>
      %lt3A_477 = arith.cmpi slt, %gather3A_467, %select_n3A_462 : vector<16xi32>
      %and3A_478 = arith.andi %eq3A_476, %lt3A_477 : vector<16xi1>
      %or3A_479 = arith.ori %lt3A_475, %and3A_478 : vector<16xi1>
      %select_n3A_480 = arith.select %or3A_479, %add3A_474, %select_n3A_461 : vector<16xi1>, vector<16xf32>
      %select_n3A_481 = arith.select %or3A_479, %gather3A_467, %select_n3A_462 : vector<16xi1>, vector<16xi32>
      %add3A_482 = arith.constant 19 : i32
      %add3A_483 = vector.broadcast %add3A_482 : i32 to vector<16xi32>
      %add3A_484 = arith.addi %min3A_120, %add3A_483 : vector<16xi32>
      %gather3A_485 = tpu.vector_load_idx %arg6[%add3A_484] : memref<1024xf32, #tpu.memory_space<vmem>>[vector<16xi32>], vector<16xf32>,
      %gather3A_486 = tpu.vector_load_idx %arg7[%add3A_484] : memref<1024xi32, #tpu.memory_space<vmem>>[vector<16xi32>], vector<16xi32>,
      %mul3A_487 = arith.mulf %get3A_26, %gather3A_485 : vector<16xf32>
      %mul3A_488 = arith.constant 2.000000e+00 : f32
      %mul3A_489 = vector.broadcast %mul3A_488 : f32 to vector<16xf32>
      %mul3A_490 = arith.mulf %mul3A_489, %mul3A_487 : vector<16xf32>
      %sub3A_491 = arith.subf %mul3A_27, %mul3A_490 : vector<16xf32>
      %mul3A_492 = arith.mulf %gather3A_485, %gather3A_485 : vector<16xf32>
      %add3A_493 = arith.addf %sub3A_491, %mul3A_492 : vector<16xf32>
      %lt3A_494 = arith.cmpf olt, %add3A_493, %select_n3A_480 : vector<16xf32>
      %eq3A_495 = arith.cmpf oeq, %add3A_493, %select_n3A_480 : vector<16xf32>
      %lt3A_496 = arith.cmpi slt, %gather3A_486, %select_n3A_481 : vector<16xi32>
      %and3A_497 = arith.andi %eq3A_495, %lt3A_496 : vector<16xi1>
      %or3A_498 = arith.ori %lt3A_494, %and3A_497 : vector<16xi1>
      %select_n3A_499 = arith.select %or3A_498, %add3A_493, %select_n3A_480 : vector<16xi1>, vector<16xf32>
      %select_n3A_500 = arith.select %or3A_498, %gather3A_486, %select_n3A_481 : vector<16xi1>, vector<16xi32>
      %add3A_501 = arith.constant 20 : i32
      %add3A_502 = vector.broadcast %add3A_501 : i32 to vector<16xi32>
      %add3A_503 = arith.addi %min3A_120, %add3A_502 : vector<16xi32>
      %gather3A_504 = tpu.vector_load_idx %arg6[%add3A_503] : memref<1024xf32, #tpu.memory_space<vmem>>[vector<16xi32>], vector<16xf32>,
      %gather3A_505 = tpu.vector_load_idx %arg7[%add3A_503] : memref<1024xi32, #tpu.memory_space<vmem>>[vector<16xi32>], vector<16xi32>,
      %mul3A_506 = arith.mulf %get3A_26, %gather3A_504 : vector<16xf32>
      %mul3A_507 = arith.constant 2.000000e+00 : f32
      %mul3A_508 = vector.broadcast %mul3A_507 : f32 to vector<16xf32>
      %mul3A_509 = arith.mulf %mul3A_508, %mul3A_506 : vector<16xf32>
      %sub3A_510 = arith.subf %mul3A_27, %mul3A_509 : vector<16xf32>
      %mul3A_511 = arith.mulf %gather3A_504, %gather3A_504 : vector<16xf32>
      %add3A_512 = arith.addf %sub3A_510, %mul3A_511 : vector<16xf32>
      %lt3A_513 = arith.cmpf olt, %add3A_512, %select_n3A_499 : vector<16xf32>
      %eq3A_514 = arith.cmpf oeq, %add3A_512, %select_n3A_499 : vector<16xf32>
      %lt3A_515 = arith.cmpi slt, %gather3A_505, %select_n3A_500 : vector<16xi32>
      %and3A_516 = arith.andi %eq3A_514, %lt3A_515 : vector<16xi1>
      %or3A_517 = arith.ori %lt3A_513, %and3A_516 : vector<16xi1>
      %select_n3A_518 = arith.select %or3A_517, %add3A_512, %select_n3A_499 : vector<16xi1>, vector<16xf32>
      %select_n3A_519 = arith.select %or3A_517, %gather3A_505, %select_n3A_500 : vector<16xi1>, vector<16xi32>
      %add3A_520 = arith.constant 21 : i32
      %add3A_521 = vector.broadcast %add3A_520 : i32 to vector<16xi32>
      %add3A_522 = arith.addi %min3A_120, %add3A_521 : vector<16xi32>
      %gather3A_523 = tpu.vector_load_idx %arg6[%add3A_522] : memref<1024xf32, #tpu.memory_space<vmem>>[vector<16xi32>], vector<16xf32>,
      %gather3A_524 = tpu.vector_load_idx %arg7[%add3A_522] : memref<1024xi32, #tpu.memory_space<vmem>>[vector<16xi32>], vector<16xi32>,
      %mul3A_525 = arith.mulf %get3A_26, %gather3A_523 : vector<16xf32>
      %mul3A_526 = arith.constant 2.000000e+00 : f32
      %mul3A_527 = vector.broadcast %mul3A_526 : f32 to vector<16xf32>
      %mul3A_528 = arith.mulf %mul3A_527, %mul3A_525 : vector<16xf32>
      %sub3A_529 = arith.subf %mul3A_27, %mul3A_528 : vector<16xf32>
      %mul3A_530 = arith.mulf %gather3A_523, %gather3A_523 : vector<16xf32>
      %add3A_531 = arith.addf %sub3A_529, %mul3A_530 : vector<16xf32>
      %lt3A_532 = arith.cmpf olt, %add3A_531, %select_n3A_518 : vector<16xf32>
      %eq3A_533 = arith.cmpf oeq, %add3A_531, %select_n3A_518 : vector<16xf32>
      %lt3A_534 = arith.cmpi slt, %gather3A_524, %select_n3A_519 : vector<16xi32>
      %and3A_535 = arith.andi %eq3A_533, %lt3A_534 : vector<16xi1>
      %or3A_536 = arith.ori %lt3A_532, %and3A_535 : vector<16xi1>
      %select_n3A_537 = arith.select %or3A_536, %add3A_531, %select_n3A_518 : vector<16xi1>, vector<16xf32>
      %select_n3A_538 = arith.select %or3A_536, %gather3A_524, %select_n3A_519 : vector<16xi1>, vector<16xi32>
      %add3A_539 = arith.constant 22 : i32
      %add3A_540 = vector.broadcast %add3A_539 : i32 to vector<16xi32>
      %add3A_541 = arith.addi %min3A_120, %add3A_540 : vector<16xi32>
      %gather3A_542 = tpu.vector_load_idx %arg6[%add3A_541] : memref<1024xf32, #tpu.memory_space<vmem>>[vector<16xi32>], vector<16xf32>,
      %gather3A_543 = tpu.vector_load_idx %arg7[%add3A_541] : memref<1024xi32, #tpu.memory_space<vmem>>[vector<16xi32>], vector<16xi32>,
      %mul3A_544 = arith.mulf %get3A_26, %gather3A_542 : vector<16xf32>
      %mul3A_545 = arith.constant 2.000000e+00 : f32
      %mul3A_546 = vector.broadcast %mul3A_545 : f32 to vector<16xf32>
      %mul3A_547 = arith.mulf %mul3A_546, %mul3A_544 : vector<16xf32>
      %sub3A_548 = arith.subf %mul3A_27, %mul3A_547 : vector<16xf32>
      %mul3A_549 = arith.mulf %gather3A_542, %gather3A_542 : vector<16xf32>
      %add3A_550 = arith.addf %sub3A_548, %mul3A_549 : vector<16xf32>
      %lt3A_551 = arith.cmpf olt, %add3A_550, %select_n3A_537 : vector<16xf32>
      %eq3A_552 = arith.cmpf oeq, %add3A_550, %select_n3A_537 : vector<16xf32>
      %lt3A_553 = arith.cmpi slt, %gather3A_543, %select_n3A_538 : vector<16xi32>
      %and3A_554 = arith.andi %eq3A_552, %lt3A_553 : vector<16xi1>
      %or3A_555 = arith.ori %lt3A_551, %and3A_554 : vector<16xi1>
      %select_n3A_556 = arith.select %or3A_555, %add3A_550, %select_n3A_537 : vector<16xi1>, vector<16xf32>
      %select_n3A_557 = arith.select %or3A_555, %gather3A_543, %select_n3A_538 : vector<16xi1>, vector<16xi32>
      %add3A_558 = arith.constant 23 : i32
      %add3A_559 = vector.broadcast %add3A_558 : i32 to vector<16xi32>
      %add3A_560 = arith.addi %min3A_120, %add3A_559 : vector<16xi32>
      %gather3A_561 = tpu.vector_load_idx %arg6[%add3A_560] : memref<1024xf32, #tpu.memory_space<vmem>>[vector<16xi32>], vector<16xf32>,
      %gather3A_562 = tpu.vector_load_idx %arg7[%add3A_560] : memref<1024xi32, #tpu.memory_space<vmem>>[vector<16xi32>], vector<16xi32>,
      %mul3A_563 = arith.mulf %get3A_26, %gather3A_561 : vector<16xf32>
      %mul3A_564 = arith.constant 2.000000e+00 : f32
      %mul3A_565 = vector.broadcast %mul3A_564 : f32 to vector<16xf32>
      %mul3A_566 = arith.mulf %mul3A_565, %mul3A_563 : vector<16xf32>
      %sub3A_567 = arith.subf %mul3A_27, %mul3A_566 : vector<16xf32>
      %mul3A_568 = arith.mulf %gather3A_561, %gather3A_561 : vector<16xf32>
      %add3A_569 = arith.addf %sub3A_567, %mul3A_568 : vector<16xf32>
      %lt3A_570 = arith.cmpf olt, %add3A_569, %select_n3A_556 : vector<16xf32>
      %eq3A_571 = arith.cmpf oeq, %add3A_569, %select_n3A_556 : vector<16xf32>
      %lt3A_572 = arith.cmpi slt, %gather3A_562, %select_n3A_557 : vector<16xi32>
      %and3A_573 = arith.andi %eq3A_571, %lt3A_572 : vector<16xi1>
      %or3A_574 = arith.ori %lt3A_570, %and3A_573 : vector<16xi1>
      %select_n3A_575 = arith.select %or3A_574, %add3A_569, %select_n3A_556 : vector<16xi1>, vector<16xf32>
      %select_n3A_576 = arith.select %or3A_574, %gather3A_562, %select_n3A_557 : vector<16xi1>, vector<16xi32>
      %add3A_577 = arith.constant 24 : i32
      %add3A_578 = vector.broadcast %add3A_577 : i32 to vector<16xi32>
      %add3A_579 = arith.addi %min3A_120, %add3A_578 : vector<16xi32>
      %gather3A_580 = tpu.vector_load_idx %arg6[%add3A_579] : memref<1024xf32, #tpu.memory_space<vmem>>[vector<16xi32>], vector<16xf32>,
      %gather3A_581 = tpu.vector_load_idx %arg7[%add3A_579] : memref<1024xi32, #tpu.memory_space<vmem>>[vector<16xi32>], vector<16xi32>,
      %mul3A_582 = arith.mulf %get3A_26, %gather3A_580 : vector<16xf32>
      %mul3A_583 = arith.constant 2.000000e+00 : f32
      %mul3A_584 = vector.broadcast %mul3A_583 : f32 to vector<16xf32>
      %mul3A_585 = arith.mulf %mul3A_584, %mul3A_582 : vector<16xf32>
      %sub3A_586 = arith.subf %mul3A_27, %mul3A_585 : vector<16xf32>
      %mul3A_587 = arith.mulf %gather3A_580, %gather3A_580 : vector<16xf32>
      %add3A_588 = arith.addf %sub3A_586, %mul3A_587 : vector<16xf32>
      %lt3A_589 = arith.cmpf olt, %add3A_588, %select_n3A_575 : vector<16xf32>
      %eq3A_590 = arith.cmpf oeq, %add3A_588, %select_n3A_575 : vector<16xf32>
      %lt3A_591 = arith.cmpi slt, %gather3A_581, %select_n3A_576 : vector<16xi32>
      %and3A_592 = arith.andi %eq3A_590, %lt3A_591 : vector<16xi1>
      %or3A_593 = arith.ori %lt3A_589, %and3A_592 : vector<16xi1>
      %select_n3A_594 = arith.select %or3A_593, %add3A_588, %select_n3A_575 : vector<16xi1>, vector<16xf32>
      %select_n3A_595 = arith.select %or3A_593, %gather3A_581, %select_n3A_576 : vector<16xi1>, vector<16xi32>
      %add3A_596 = arith.constant 25 : i32
      %add3A_597 = vector.broadcast %add3A_596 : i32 to vector<16xi32>
      %add3A_598 = arith.addi %min3A_120, %add3A_597 : vector<16xi32>
      %gather3A_599 = tpu.vector_load_idx %arg6[%add3A_598] : memref<1024xf32, #tpu.memory_space<vmem>>[vector<16xi32>], vector<16xf32>,
      %gather3A_600 = tpu.vector_load_idx %arg7[%add3A_598] : memref<1024xi32, #tpu.memory_space<vmem>>[vector<16xi32>], vector<16xi32>,
      %mul3A_601 = arith.mulf %get3A_26, %gather3A_599 : vector<16xf32>
      %mul3A_602 = arith.constant 2.000000e+00 : f32
      %mul3A_603 = vector.broadcast %mul3A_602 : f32 to vector<16xf32>
      %mul3A_604 = arith.mulf %mul3A_603, %mul3A_601 : vector<16xf32>
      %sub3A_605 = arith.subf %mul3A_27, %mul3A_604 : vector<16xf32>
      %mul3A_606 = arith.mulf %gather3A_599, %gather3A_599 : vector<16xf32>
      %add3A_607 = arith.addf %sub3A_605, %mul3A_606 : vector<16xf32>
      %lt3A_608 = arith.cmpf olt, %add3A_607, %select_n3A_594 : vector<16xf32>
      %eq3A_609 = arith.cmpf oeq, %add3A_607, %select_n3A_594 : vector<16xf32>
      %lt3A_610 = arith.cmpi slt, %gather3A_600, %select_n3A_595 : vector<16xi32>
      %and3A_611 = arith.andi %eq3A_609, %lt3A_610 : vector<16xi1>
      %or3A_612 = arith.ori %lt3A_608, %and3A_611 : vector<16xi1>
      %select_n3A_613 = arith.select %or3A_612, %add3A_607, %select_n3A_594 : vector<16xi1>, vector<16xf32>
      %select_n3A_614 = arith.select %or3A_612, %gather3A_600, %select_n3A_595 : vector<16xi1>, vector<16xi32>
      %add3A_615 = arith.constant 26 : i32
      %add3A_616 = vector.broadcast %add3A_615 : i32 to vector<16xi32>
      %add3A_617 = arith.addi %min3A_120, %add3A_616 : vector<16xi32>
      %gather3A_618 = tpu.vector_load_idx %arg6[%add3A_617] : memref<1024xf32, #tpu.memory_space<vmem>>[vector<16xi32>], vector<16xf32>,
      %gather3A_619 = tpu.vector_load_idx %arg7[%add3A_617] : memref<1024xi32, #tpu.memory_space<vmem>>[vector<16xi32>], vector<16xi32>,
      %mul3A_620 = arith.mulf %get3A_26, %gather3A_618 : vector<16xf32>
      %mul3A_621 = arith.constant 2.000000e+00 : f32
      %mul3A_622 = vector.broadcast %mul3A_621 : f32 to vector<16xf32>
      %mul3A_623 = arith.mulf %mul3A_622, %mul3A_620 : vector<16xf32>
      %sub3A_624 = arith.subf %mul3A_27, %mul3A_623 : vector<16xf32>
      %mul3A_625 = arith.mulf %gather3A_618, %gather3A_618 : vector<16xf32>
      %add3A_626 = arith.addf %sub3A_624, %mul3A_625 : vector<16xf32>
      %lt3A_627 = arith.cmpf olt, %add3A_626, %select_n3A_613 : vector<16xf32>
      %eq3A_628 = arith.cmpf oeq, %add3A_626, %select_n3A_613 : vector<16xf32>
      %lt3A_629 = arith.cmpi slt, %gather3A_619, %select_n3A_614 : vector<16xi32>
      %and3A_630 = arith.andi %eq3A_628, %lt3A_629 : vector<16xi1>
      %or3A_631 = arith.ori %lt3A_627, %and3A_630 : vector<16xi1>
      %select_n3A_632 = arith.select %or3A_631, %add3A_626, %select_n3A_613 : vector<16xi1>, vector<16xf32>
      %select_n3A_633 = arith.select %or3A_631, %gather3A_619, %select_n3A_614 : vector<16xi1>, vector<16xi32>
      %add3A_634 = arith.constant 27 : i32
      %add3A_635 = vector.broadcast %add3A_634 : i32 to vector<16xi32>
      %add3A_636 = arith.addi %min3A_120, %add3A_635 : vector<16xi32>
      %gather3A_637 = tpu.vector_load_idx %arg6[%add3A_636] : memref<1024xf32, #tpu.memory_space<vmem>>[vector<16xi32>], vector<16xf32>,
      %gather3A_638 = tpu.vector_load_idx %arg7[%add3A_636] : memref<1024xi32, #tpu.memory_space<vmem>>[vector<16xi32>], vector<16xi32>,
      %mul3A_639 = arith.mulf %get3A_26, %gather3A_637 : vector<16xf32>
      %mul3A_640 = arith.constant 2.000000e+00 : f32
      %mul3A_641 = vector.broadcast %mul3A_640 : f32 to vector<16xf32>
      %mul3A_642 = arith.mulf %mul3A_641, %mul3A_639 : vector<16xf32>
      %sub3A_643 = arith.subf %mul3A_27, %mul3A_642 : vector<16xf32>
      %mul3A_644 = arith.mulf %gather3A_637, %gather3A_637 : vector<16xf32>
      %add3A_645 = arith.addf %sub3A_643, %mul3A_644 : vector<16xf32>
      %lt3A_646 = arith.cmpf olt, %add3A_645, %select_n3A_632 : vector<16xf32>
      %eq3A_647 = arith.cmpf oeq, %add3A_645, %select_n3A_632 : vector<16xf32>
      %lt3A_648 = arith.cmpi slt, %gather3A_638, %select_n3A_633 : vector<16xi32>
      %and3A_649 = arith.andi %eq3A_647, %lt3A_648 : vector<16xi1>
      %or3A_650 = arith.ori %lt3A_646, %and3A_649 : vector<16xi1>
      %select_n3A_651 = arith.select %or3A_650, %add3A_645, %select_n3A_632 : vector<16xi1>, vector<16xf32>
      %select_n3A_652 = arith.select %or3A_650, %gather3A_638, %select_n3A_633 : vector<16xi1>, vector<16xi32>
      %add3A_653 = arith.constant 28 : i32
      %add3A_654 = vector.broadcast %add3A_653 : i32 to vector<16xi32>
      %add3A_655 = arith.addi %min3A_120, %add3A_654 : vector<16xi32>
      %gather3A_656 = tpu.vector_load_idx %arg6[%add3A_655] : memref<1024xf32, #tpu.memory_space<vmem>>[vector<16xi32>], vector<16xf32>,
      %gather3A_657 = tpu.vector_load_idx %arg7[%add3A_655] : memref<1024xi32, #tpu.memory_space<vmem>>[vector<16xi32>], vector<16xi32>,
      %mul3A_658 = arith.mulf %get3A_26, %gather3A_656 : vector<16xf32>
      %mul3A_659 = arith.constant 2.000000e+00 : f32
      %mul3A_660 = vector.broadcast %mul3A_659 : f32 to vector<16xf32>
      %mul3A_661 = arith.mulf %mul3A_660, %mul3A_658 : vector<16xf32>
      %sub3A_662 = arith.subf %mul3A_27, %mul3A_661 : vector<16xf32>
      %mul3A_663 = arith.mulf %gather3A_656, %gather3A_656 : vector<16xf32>
      %add3A_664 = arith.addf %sub3A_662, %mul3A_663 : vector<16xf32>
      %lt3A_665 = arith.cmpf olt, %add3A_664, %select_n3A_651 : vector<16xf32>
      %eq3A_666 = arith.cmpf oeq, %add3A_664, %select_n3A_651 : vector<16xf32>
      %lt3A_667 = arith.cmpi slt, %gather3A_657, %select_n3A_652 : vector<16xi32>
      %and3A_668 = arith.andi %eq3A_666, %lt3A_667 : vector<16xi1>
      %or3A_669 = arith.ori %lt3A_665, %and3A_668 : vector<16xi1>
      %select_n3A_670 = arith.select %or3A_669, %add3A_664, %select_n3A_651 : vector<16xi1>, vector<16xf32>
      %select_n3A_671 = arith.select %or3A_669, %gather3A_657, %select_n3A_652 : vector<16xi1>, vector<16xi32>
      %add3A_672 = arith.constant 29 : i32
      %add3A_673 = vector.broadcast %add3A_672 : i32 to vector<16xi32>
      %add3A_674 = arith.addi %min3A_120, %add3A_673 : vector<16xi32>
      %gather3A_675 = tpu.vector_load_idx %arg6[%add3A_674] : memref<1024xf32, #tpu.memory_space<vmem>>[vector<16xi32>], vector<16xf32>,
      %gather3A_676 = tpu.vector_load_idx %arg7[%add3A_674] : memref<1024xi32, #tpu.memory_space<vmem>>[vector<16xi32>], vector<16xi32>,
      %mul3A_677 = arith.mulf %get3A_26, %gather3A_675 : vector<16xf32>
      %mul3A_678 = arith.constant 2.000000e+00 : f32
      %mul3A_679 = vector.broadcast %mul3A_678 : f32 to vector<16xf32>
      %mul3A_680 = arith.mulf %mul3A_679, %mul3A_677 : vector<16xf32>
      %sub3A_681 = arith.subf %mul3A_27, %mul3A_680 : vector<16xf32>
      %mul3A_682 = arith.mulf %gather3A_675, %gather3A_675 : vector<16xf32>
      %add3A_683 = arith.addf %sub3A_681, %mul3A_682 : vector<16xf32>
      %lt3A_684 = arith.cmpf olt, %add3A_683, %select_n3A_670 : vector<16xf32>
      %eq3A_685 = arith.cmpf oeq, %add3A_683, %select_n3A_670 : vector<16xf32>
      %lt3A_686 = arith.cmpi slt, %gather3A_676, %select_n3A_671 : vector<16xi32>
      %and3A_687 = arith.andi %eq3A_685, %lt3A_686 : vector<16xi1>
      %or3A_688 = arith.ori %lt3A_684, %and3A_687 : vector<16xi1>
      %select_n3A_689 = arith.select %or3A_688, %add3A_683, %select_n3A_670 : vector<16xi1>, vector<16xf32>
      %select_n3A_690 = arith.select %or3A_688, %gather3A_676, %select_n3A_671 : vector<16xi1>, vector<16xi32>
      %add3A_691 = arith.constant 30 : i32
      %add3A_692 = vector.broadcast %add3A_691 : i32 to vector<16xi32>
      %add3A_693 = arith.addi %min3A_120, %add3A_692 : vector<16xi32>
      %gather3A_694 = tpu.vector_load_idx %arg6[%add3A_693] : memref<1024xf32, #tpu.memory_space<vmem>>[vector<16xi32>], vector<16xf32>,
      %gather3A_695 = tpu.vector_load_idx %arg7[%add3A_693] : memref<1024xi32, #tpu.memory_space<vmem>>[vector<16xi32>], vector<16xi32>,
      %mul3A_696 = arith.mulf %get3A_26, %gather3A_694 : vector<16xf32>
      %mul3A_697 = arith.constant 2.000000e+00 : f32
      %mul3A_698 = vector.broadcast %mul3A_697 : f32 to vector<16xf32>
      %mul3A_699 = arith.mulf %mul3A_698, %mul3A_696 : vector<16xf32>
      %sub3A_700 = arith.subf %mul3A_27, %mul3A_699 : vector<16xf32>
      %mul3A_701 = arith.mulf %gather3A_694, %gather3A_694 : vector<16xf32>
      %add3A_702 = arith.addf %sub3A_700, %mul3A_701 : vector<16xf32>
      %lt3A_703 = arith.cmpf olt, %add3A_702, %select_n3A_689 : vector<16xf32>
      %eq3A_704 = arith.cmpf oeq, %add3A_702, %select_n3A_689 : vector<16xf32>
      %lt3A_705 = arith.cmpi slt, %gather3A_695, %select_n3A_690 : vector<16xi32>
      %and3A_706 = arith.andi %eq3A_704, %lt3A_705 : vector<16xi1>
      %or3A_707 = arith.ori %lt3A_703, %and3A_706 : vector<16xi1>
      %select_n3A_708 = arith.select %or3A_707, %add3A_702, %select_n3A_689 : vector<16xi1>, vector<16xf32>
      %select_n3A_709 = arith.select %or3A_707, %gather3A_695, %select_n3A_690 : vector<16xi1>, vector<16xi32>
      %add3A_710 = arith.constant 31 : i32
      %add3A_711 = vector.broadcast %add3A_710 : i32 to vector<16xi32>
      %add3A_712 = arith.addi %min3A_120, %add3A_711 : vector<16xi32>
      %gather3A_713 = tpu.vector_load_idx %arg6[%add3A_712] : memref<1024xf32, #tpu.memory_space<vmem>>[vector<16xi32>], vector<16xf32>,
      %gather3A_714 = tpu.vector_load_idx %arg7[%add3A_712] : memref<1024xi32, #tpu.memory_space<vmem>>[vector<16xi32>], vector<16xi32>,
      %mul3A_715 = arith.mulf %get3A_26, %gather3A_713 : vector<16xf32>
      %mul3A_716 = arith.constant 2.000000e+00 : f32
      %mul3A_717 = vector.broadcast %mul3A_716 : f32 to vector<16xf32>
      %mul3A_718 = arith.mulf %mul3A_717, %mul3A_715 : vector<16xf32>
      %sub3A_719 = arith.subf %mul3A_27, %mul3A_718 : vector<16xf32>
      %mul3A_720 = arith.mulf %gather3A_713, %gather3A_713 : vector<16xf32>
      %add3A_721 = arith.addf %sub3A_719, %mul3A_720 : vector<16xf32>
      %lt3A_722 = arith.cmpf olt, %add3A_721, %select_n3A_708 : vector<16xf32>
      %eq3A_723 = arith.cmpf oeq, %add3A_721, %select_n3A_708 : vector<16xf32>
      %lt3A_724 = arith.cmpi slt, %gather3A_714, %select_n3A_709 : vector<16xi32>
      %and3A_725 = arith.andi %eq3A_723, %lt3A_724 : vector<16xi1>
      %or3A_726 = arith.ori %lt3A_722, %and3A_725 : vector<16xi1>
      %select_n3A_727 = arith.select %or3A_726, %add3A_721, %select_n3A_708 : vector<16xi1>, vector<16xf32>
      %select_n3A_728 = arith.select %or3A_726, %gather3A_714, %select_n3A_709 : vector<16xi1>, vector<16xi32>
      %mul3A_729 = arith.constant 16 : i32
      %mul3A_730 = arith.muli %scan3A_22, %mul3A_729 : i32
      %swap3A = arith.index_cast %mul3A_730 : i32 to index
      %swap3A_731 = tpu.vector_load %arg9[%swap3A] {strides = array<i32>} : memref<32768xi32, #tpu.memory_space<vmem>>, vector<16xi32>,
      tpu.vector_store %arg9[%swap3A], %select_n3A_728 {strides = array<i32>} : memref<32768xi32, #tpu.memory_space<vmem>>, vector<16xi32>,
      %scan3A_732 = arith.constant 0 : i32
      scf.yield %scan3A_732 : i32
    }
    %scan3A_21 = arith.constant 2048 : i32
    "tpu.region"() ({
      %run_scoped3A = tpu.sem_alloc : memref<!tpu.dma_semaphore, #tpu.memory_space<semaphore_mem>>
      %dma_start3A = tpu.memref_slice %arg5[%add3A_14] : memref<2097152xi32, #tpu.memory_space<hbm>> -> memref<32768xi32, #tpu.memory_space<hbm>>
      %dma_start3A_22 = tpu.memref_slice %arg5[%add3A_14] : memref<2097152xi32, #tpu.memory_space<hbm>> -> memref<32768xi32, #tpu.memory_space<hbm>>
      tpu.enqueue_dma source(%arg9 : memref<32768xi32, #tpu.memory_space<vmem>>) target(%dma_start3A_22 : memref<32768xi32, #tpu.memory_space<hbm>>) target_semaphore(%run_scoped3A : memref<!tpu.dma_semaphore, #tpu.memory_space<semaphore_mem>>)
      %dma_wait3A = tpu.memref_slice %arg5[%add3A_14] : memref<2097152xi32, #tpu.memory_space<hbm>> -> memref<32768xi32, #tpu.memory_space<hbm>>
      %dma_wait3A_23 = tpu.memref_slice %arg5[%add3A_14] : memref<2097152xi32, #tpu.memory_space<hbm>> -> memref<32768xi32, #tpu.memory_space<hbm>>
      tpu.wait_dma2 semaphore(%run_scoped3A : memref<!tpu.dma_semaphore, #tpu.memory_space<semaphore_mem>>) src(%arg9 : memref<32768xi32, #tpu.memory_space<vmem>>) dst(%dma_wait3A_23 : memref<32768xi32, #tpu.memory_space<hbm>>)
      tpu.yield
    }) : () -> ()
    return
  }
}

</mosaic_0001>

<sc_bundles>
// kernel: kernel.3.cloned.1.call-start
scs
__scs_entry_jumppad:
0x0: {  	(pc) =	sbr.rel $0x88, $3  }
0x1: {  	(tag) =	ssettag $0x0;
	lr =	simm.s32 $0x1  }
0x2: {  	[smem:$0x3F9E] =	sst lr;
	_ =	strace $0xD0000000  }
0x3: {  	_ = 	snop  }
0x4: {  	_ = 	snop  }
0x5: {  	_ = 	snop  }
0x6: {  	_ = 	snop  }
0x7: {  	_ = 	snop  }
__scs_overlays_trampoline_lowered:
0x8: {  	[smem:$0x3FAD] =	sst s0  }
0x9: {  	[smem:$0x3FAE] =	sst s1  }
0xa: {  	[smem:$0x3FAF] =	sst s2  }
0xb: {  	[smem:$0x3FB0] =	sst s3  }
0xc: {  	[smem:$0x3FB1] =	sst s4  }
0xd: {  	[smem:$0x3FB2] =	sst s5  }
0xe: {  	[smem:$0x3FB3] =	sst s6  }
0xf: {  	[smem:$0x3FB4] =	sst s7  }
0x10: {  	[smem:$0x3FB5] =	sst s8  }
0x11: {  	[smem:$0x3FB6] =	sst s9;
	s0 =	simm.s32 @!p0 $0x0  }
0x12: {  	s1 =	sld [smem:$0x3F9C];
	s0 =	simm.s32 @p0 $0x1  }
0x13: {  	[smem:$0x3FB7] =	sst s0;
	s0 =	simm.s32 @!p1 $0x0  }
0x14: {  	s2 =	sld [smem:$0x3F9B];
	s0 =	simm.s32 @p1 $0x1  }
0x15: {  	[smem:$0x3FB8] =	sst s0;
	s0 =	simm.s32 @!p2 $0x0  }
0x16: {  	s3 =	sld [smem:$0x3FDB];
	s0 =	simm.s32 @p2 $0x1  }
0x17: {  	s4 =	simm.s32 $0x1BF5;
	[smem:$0x3FBA] =	sst s0  }
0x18: {  	s0 =	sld [smem:$0x3F9D];
	_ =	swait.ge [sflag:s4], $0x0  }
0x19: {  	s7 =	sld [smem:$0x3F9E]  }
0x1a: {  	s8 =	sadd.s32 $0xFFFFE003, lr  }
0x1b: {  	s9 =	sadd.s32 $0xFFFFFEF7, lr;
	s5 =	simm.s32 $0xFFFFFFFF;
	p2 =	slt.u32 s8, $0xFFFFF086  }
0x1c: {  	p1 =	slt.u32 s9, $0xF7A;
	s5 =	simm.s32 @!p2 $0x0  }
0x1d: {  	s5 =	simm.s32 @p1 $0x1;
	p0 =	seq.s32 s7, s2  }
0x1e: {  	s7 =	smul.u32 @!p0 $0xF7A, s2;
	p2 =	seq.s32 @!p0 s5, $0x0  }
0x1f: {  	s9 =	smul.u32 $0xF7A, s1;
	s8 =	simm.s32 @!p0 $0x1BF5;
	p2 =	por !p2, p0  }
0x20: {  	[sflag:s8] =	ssyncset.s32 @!p0 $0xFFFFF086;
	s6 =	sadd.s32 @!p0 s3, s7;
	s7 =	simm.s32 @!p0 $0x108  }
0x21: {  	s3 =	sadd.s32 s3, s9;
	s6 =	sadd.s32 @!p0 $0x88, s6;
	s7 =	simm.s32 @p2 $0x1082  }
0x22: {  	[simem:s7], [sflag:s8] =	dma.local @!p0 [hbm:s6], $0xF7A  }
0x23: {  	s9 =	sor.u32 $0xD0000000, s2;
	s6 =	simm.s32 $0x108;
	_ =	swait.ge @!p0 [sflag:s8], $0x0  }
0x24: {  	s3 =	sadd.s32 $0x88, s3;
	s6 =	simm.s32 @!p1 $0x1082;
	[sflag:s4] =	ssyncset.s32 $0xFFFFF086  }
0x25: {  	[simem:s6], [sflag:s4] =	dma.local [hbm:s3], $0xF7A  }
0x26: {  	[smem:$0x3F9E] =	sst s1;
	(tag) =	ssettag s2;
	_ =	strace s9  }
0x27: {  	s1 =	sld [smem:$0x3FAE]  }
0x28: {  	s2 =	sld [smem:$0x3FAF]  }
0x29: {  	s4 =	sld [smem:$0x3FB1]  }
0x2a: {  	p0 =	seq.s32 s5, $0x0;
	s5 =	sld [smem:$0x3FB2]  }
0x2b: {  	s6 =	sld [smem:$0x3FB3]  }
0x2c: {  	s7 =	sld [smem:$0x3FB4]  }
0x2d: {  	s3 =	simm.s32 $0x108;
	s8 =	sld [smem:$0x3FB5]  }
0x2e: {  	s3 =	simm.s32 @!p0 $0x1082;
	s9 =	sld [smem:$0x3FB6]  }
0x2f: {  	lr =	sadd.s32 s0, s3;
	s0 =	sld [smem:$0x3FAD]  }
0x30: {  	s3 =	sld [smem:$0x3FB0]  }
0x31: {  	[smem:$0x3FB9] =	sst s10  }
0x32: {  	s10 =	sld [smem:$0x3FB7];
	_ =	sdelay $0x3  }
0x33: {  	p0 =	seq.s32 s10, $0x1;
	s10 =	sld [smem:$0x3FB9];
	_ =	sdelay $0x3  }
0x34: {  	[smem:$0x3FB9] =	sst s10  }
0x35: {  	s10 =	sld [smem:$0x3FB8];
	_ =	sdelay $0x3  }
0x36: {  	p1 =	seq.s32 s10, $0x1;
	s10 =	sld [smem:$0x3FB9];
	_ =	sdelay $0x3  }
0x37: {  	[smem:$0x3FB9] =	sst s10  }
0x38: {  	s10 =	sld [smem:$0x3FBA]  }
0x39: {  	_ = 	snop;
	(pc) =	sbr.ind lr, $3  }
0x3a: {  	_ = 	snop  }
0x3b: {  	_ = 	snop  }
0x3c: {  	p2 =	seq.s32 s10, $0x1;
	s10 =	sld [smem:$0x3FB9]  }
0x3d: {  	_ =	shalt  }
0x3e: {  	_ =	shalt  }
0x3f: {  	_ =	shalt  }
0x40: {  	_ =	shalt  }
0x41: {  	_ =	shalt  }
0x42: {  	_ =	shalt  }
0x43: {  	_ =	shalt  }
0x44: {  	_ =	shalt  }
0x45: {  	_ =	shalt  }
0x46: {  	_ =	shalt  }
0x47: {  	_ =	shalt  }
0x48: {  	_ =	shalt  }
0x49: {  	_ =	shalt  }
0x4a: {  	_ =	shalt  }
0x4b: {  	_ =	shalt  }
0x4c: {  	_ =	shalt  }
0x4d: {  	_ =	shalt  }
0x4e: {  	_ =	shalt  }
0x4f: {  	_ =	shalt  }
0x50: {  	_ =	shalt  }
0x51: {  	_ =	shalt  }
0x52: {  	_ =	shalt  }
0x53: {  	_ =	shalt  }
0x54: {  	_ =	shalt  }
0x55: {  	_ =	shalt  }
0x56: {  	_ =	shalt  }
0x57: {  	_ =	shalt  }
0x58: {  	_ =	shalt  }
0x59: {  	_ =	shalt  }
0x5a: {  	_ =	shalt  }
0x5b: {  	_ =	shalt  }
0x5c: {  	_ =	shalt  }
0x5d: {  	_ =	shalt  }
0x5e: {  	_ =	shalt  }
0x5f: {  	_ =	shalt  }
0x60: {  	_ =	shalt  }
0x61: {  	_ =	shalt  }
0x62: {  	_ =	shalt  }
0x63: {  	_ =	shalt  }
0x64: {  	_ =	shalt  }
0x65: {  	_ =	shalt  }
0x66: {  	_ =	shalt  }
0x67: {  	_ =	shalt  }
0x68: {  	_ =	shalt  }
0x69: {  	_ =	shalt  }
0x6a: {  	_ =	shalt  }
0x6b: {  	_ =	shalt  }
0x6c: {  	_ =	shalt  }
0x6d: {  	_ =	shalt  }
0x6e: {  	_ =	shalt  }
0x6f: {  	_ =	shalt  }
0x70: {  	_ =	shalt  }
0x71: {  	_ =	shalt  }
0x72: {  	_ =	shalt  }
0x73: {  	_ =	shalt  }
0x74: {  	_ =	shalt  }
0x75: {  	_ =	shalt  }
0x76: {  	_ =	shalt  }
0x77: {  	_ =	shalt  }
0x78: {  	_ =	shalt  }
0x79: {  	_ =	shalt  }
0x7a: {  	_ =	shalt  }
0x7b: {  	_ =	shalt  }
0x7c: {  	_ =	shalt  }
0x7d: {  	_ =	shalt  }
0x7e: {  	_ =	shalt  }
0x7f: {  	_ =	shalt  }
0x80: {  	_ =	shalt  }
0x81: {  	_ =	shalt  }
0x82: {  	_ =	shalt  }
0x83: {  	_ =	shalt  }
0x84: {  	_ =	shalt  }
0x85: {  	_ =	shalt  }
0x86: {  	_ =	shalt  }
0x87: {  	_ =	shalt  }
.Lfunc_end0:
.L_simem_size_0:
called_computation_lowered:
.L_overlay_start_0:
0x88: {  	s2 =	sld [smem:$0x3FD9]  }
0x89: {  	s3 =	sld [smem:$0x3FFE];
	_ =	sdelay $0x1  }
0x8a: {  	s1 =	srdreg.scid  }
0x8b: {  	s0 =	sand.u32 $0x1, s1  }
0x8c: {  	s14 =	sshll.u32 s0, $0xA;
	s2 =	sadd.s32 s3, s2  }
0x8d: {  	s2 =	sadd.s32 s2, s14  }
0x8e: {  	[smem:$0x3FC5] =	sst s2  }
0x8f: {  	_ = 	snop  }
0x90: {  	s2 =	sld [smem:$0x3FD0];
	_ =	sdelay $0x2  }
0x91: {  	s4 =	simm.s32 $0xA;
	s5 =	simm.s32 $0x10;
	s15 =	sld [smem:$0x3FC9]  }
0x92: {  	[smem:s5], [sflag:s4] =	dma.local [hbm:s2], $0x1  }
0x93: {  	_ =	swait.eq [sflag:s4], $0x1  }
0x94: {  	[sflag:s4] =	ssyncset.done $0x0  }
0x95: {  	[sflag:s4] =	ssyncadd.s32 $0xFFFFFFFF  }
0x96: {  	s16 =	sld [smem:$0x10];
	(tm) =	ssettm $0x1  }
0x97: {  	s17 =	sld [smem:$0x3FFB];
	_ =	sdelay $0x3  }
0x98: {  	_ =	strace s17  }
0x99: {  	s4 =	sld [smem:$0x3FFC];
	_ =	sdelay $0x3  }
0x9a: {  	_ =	strace s4  }
0x9b: {  	s4 =	sld [smem:$0x3FFD];
	_ =	sdelay $0x3  }
0x9c: {  	_ =	strace s4  }
0x9d: {  	_ =	strace $0x8FFFFFFF  }
0x9e: {  	s18 =	sld [smem:$0x3FDB];
	_ =	sdelay $0x1  }
0x9f: {  	s19 =	simm.s32 $_scs_section_size  }
0xa0: {  	s6 =	simm.s32 $_size__tile_overlayer_lowered;
	s7 =	simm.s32 $_tile_overlayer_lowered  }
0xa1: {  	s22 =	simm.s32 $0x1BFF;
	s21 =	sshll.u32 s7, $0x1;
	s4 =	sadd.s32 s19, s18  }
0xa2: {  	s8 =	simm.s32 $0x0;
	s20 =	sshll.u32 s6, $0x1;
	s6 =	sadd.s32 s21, s4  }
0xa3: {  	[timem:s8], [sflag:s22] =	dma.local [hbm:s6], s20  }
0xa4: {  	_ =	swait.ge [sflag:s22], s20  }
0xa5: {  	s5 =	ssub.s32 $0x0, s20;
	[sflag:s22] =	ssyncset.done $0x0  }
0xa6: {  	[sflag:s22] =	ssyncadd.s32 s5;
	_ =	sdelay $0x1  }
0xa7: {  	s23 =	simm.s32 $0x1B8B  }
0xa8: {  	_ =	swait.ge [sflag:s23], $0x1  }
0xa9: {  	[sflag:s23] =	ssyncset.done $0x0  }
0xaa: {  	s25 =	simm.s32 $0x1B8E;
	s24 =	sld [smem:$0x3FFE];
	[sflag:s23] =	ssyncadd.s32 $0xFFFFFFFF  }
0xab: {  	s26 =	simm.s32 $execute0_lowered;
	[smem:$0x3FD2] =	sst s25  }
0xac: {  	s6 =	sshll.u32 s26, $0x1;
	_ =	strace $0x80000046;
	[dreg:$0x1] =	wrdreg $0xFFFFFFFF  }
0xad: {  	s28 =	simm.s32 $_size_execute0_lowered;
	s4 =	sadd.s32 s4, s6;
	[dreg:$0x0] =	wrdreg $0x0  }
0xae: {  	s6 =	sshll.u32 s28, $0x1;
	[dreg:$0x2] =	wrdreg s4  }
0xaf: {  	[dreg:$0x3] =	wrdreg s6  }
0xb0: {  	[dreg:$0x4] =	wrdreg $0xC0  }
0xb1: {  	_ =	task [dreg:s8], $0x5FFFF  }
0xb2: {  	[dreg:$0x1] =	wrdreg $0xFFFFFFFF  }
0xb3: {  	[dreg:$0x0] =	wrdreg $0x60  }
0xb4: {  	[dreg:$0x2] =	wrdreg s15  }
0xb5: {  	[dreg:$0x3] =	wrdreg s24  }
0xb6: {  	[dreg:$0x4] =	wrdreg s16  }
0xb7: {  	[dreg:$0x5] =	wrdreg $0x9  }
0xb8: {  	_ =	task.clear_ibuf [dreg:s8], $0x6FFFF;
	_ =	strace $0x90000046  }
0xb9: {  	s29 =	simm.s32 $0x9;
	_ =	strace $0x80000048  }
0xba: {  	_ =	swait.ge [sflag:s29], $0x1  }
0xbb: {  	[sflag:s29] =	ssyncadd.s32 $0xFFFFFFFF  }
0xbc: {  	_ =	strace $0x90000048  }
0xbd: {  	_ =	sfence  }
0xbe: {  	s30 =	sld [smem:$0x0];
	_ =	sdelay $0x2  }
0xbf: {  	s31 =	sshll.u32 s1, $0xD;
	s1 =	sshrl.u32 s1, $0x2  }
0xc0: {  	s3 =	sand.u32 $0x4000, s31;
	s1 =	sadd.s32 s1, s30  }
0xc1: {  	s0 =	sor.u32 s3, s0;
	s1 =	sshll.u32 s1, $0x11  }
0xc2: {  	s0 =	sor.u32 s1, s0  }
0xc3: {  	s0 =	sadd.s32 $0x8F2B, s0  }
0xc4: {  	[sflag:s0] =	ssyncadd.remote.s32 $0x1  }
0xc5: {  	_ =	sfence.sel $0xFFFF  }
0xc6: {  	[dreg:$0x0] =	wrdreg $0xFFFFFFFF;
	(pc) =	sbr.abs _section_cstart, $3  }
0xc7: {  	[dreg:$0x1] =	wrdreg $0xFFFFFFFF  }
0xc8: {  	_ =	task.clear_ibuf [dreg:s8], $0x2FFFF;
	_ =	strace $0x9FFFFFFF  }
0xc9: {  	(tm) =	ssettm $0x7FFFFFFF  }
tec
execute0_lowered:
.L_overlay_start_1:
0x0: {  	(tag) =	ssettag $0x1  }
0x1: {  	s7 =	rddreg [dreg:$0x0]  }
0x2: {  	s1 =	rddreg [dreg:$0x1]  }
0x3: {  	s8 =	rddreg [dreg:$0x2]  }
0x4: {  	s0 =	rddreg [dreg:$0x3]  }
0x5: {  	s3 =	simm.s32 $0x0;
	s4 =	srdreg.scid;
	s2 =	stileid.u32  }
0x6: {  	s11 =	simm.s32 $0x400;
	s12 =	simm.s32 $0x800;
	s13 =	simm.s32 $0x8800  }
0x7: {  	s14 =	simm.s32 $0x0;
	[smem:$0x7FF] =	sst s3;
	s4 =	sand.u32 $0x1, s4  }
0x8: {  	v0 =	vimm.s32 $0x1FF;
	s6 =	sshll.u32 s2, $0xE;
	s5 =	ssub.s32 $0x2, s4;
	s9 =	sshll.u32 s4, $0xD  }
0x9: {  	_ =	strace $0x80000047;
	s10 =	sshrl.u32 s5, $0x1;
	s6 =	sor.u32 s9, s6  }
0xa: {  	s4 =	sadd.s32 $0x200, s1;
	s30 =	ssub.s32 s5, s10;
	s5 =	sadd.s32 s7, s6  }
0xb: {  	s31 =	sor.u32 $0x1000, s6;
	s6 =	sadd.s32 s8, s6;
	s10 =	simm.s32 $0x1  }
0xc: {  	v1 =	vimm.s32 $0x0;
	s7 =	sadd.s32 s7, s31;
	s8 =	sadd.s32 s8, s31;
	s9 =	smax.u32 s30, $0x1  }
.LBB2_1:
0xd: {  	[tilespmem:s3], [sflag:$0x1] =	stream.linear.gather [hbm4b:s4+s3], $0x400, $0x38;
	[tilespmem:$0x10800] =	vst v63  }
0xe: {  	_ =	swait.ge [sflag:s10], $0x400  }
0xf: {  	[sflag:s10] =	ssyncset.done $0x0  }
0x10: {  	[sflag:s10] =	ssyncadd.s32 $0xFFFFFC00  }
0x11: {  	[tilespmem:s11], [sflag:$0x1] =	stream.linear.gather [hbm4b:s1+s3], $0x400, $0x38;
	[tilespmem:$0x10800] =	vst v63  }
0x12: {  	_ =	swait.ge [sflag:s10], $0x400  }
0x13: {  	[sflag:s10] =	ssyncset.done $0x0  }
0x14: {  	[sflag:s10] =	ssyncadd.s32 $0xFFFFFC00  }
0x15: {  	[tilespmem:s12], [sflag:$0x1] =	stream.linear.gather [hbm4b:s5+s3], $0x8000, $0x38;
	[tilespmem:$0x10800] =	vst v63  }
0x16: {  	_ =	swait.ge [sflag:s10], $0x8000  }
0x17: {  	[sflag:s10] =	ssyncset.done $0x0  }
0x18: {  	s15 =	simm.s32 $0x0;
	[sflag:s10] =	ssyncadd.s32 $0xFFFF8000  }
.LBB2_2:
0x19: {  	s16 =	sshra.s32 s15, $0x2;
	v3 =	vld.idx.msk [tilespmem:v0+s3+$0x0], $0xffff  }
0x1a: {  	v2 =	vld [tilespmem:s16+$0x800];
	_ =	sdelay $0x4  }
0x1b: {  	vm0 =	vle.f32 v3, v2  }
0x1c: {  	v3 =	vsel vm0, $0x200, v1  }
0x1d: {  	v4 =	vor.u32 $0xFF, v3;
	_ =	sdelay $0x4  }
0x1e: {  	v4 =	vld.idx.msk [tilespmem:v4+s3+$0x0], $0xffff;
	_ =	sdelay $0x4  }
0x1f: {  	v23 =	vor.u32 $0x100, v3;
	vm8 =	vle.f32 v4, v2  }
0x20: {  	v3 =	vsel vm8, v23, v3  }
0x21: {  	v4 =	vor.u32 $0x7F, v3;
	_ =	sdelay $0x4  }
0x22: {  	v4 =	vld.idx.msk [tilespmem:v4+s3+$0x0], $0xffff;
	_ =	sdelay $0x4  }
0x23: {  	v24 =	vor.u32 $0x80, v3;
	vm9 =	vle.f32 v4, v2  }
0x24: {  	v3 =	vsel vm9, v24, v3  }
0x25: {  	v4 =	vor.u32 $0x3F, v3;
	_ =	sdelay $0x4  }
0x26: {  	v4 =	vld.idx.msk [tilespmem:v4+s3+$0x0], $0xffff;
	_ =	sdelay $0x4  }
0x27: {  	v25 =	vor.u32 $0x40, v3;
	vm10 =	vle.f32 v4, v2  }
0x28: {  	v3 =	vsel vm10, v25, v3  }
0x29: {  	v4 =	vadd.s32 $0x1F, v3;
	_ =	sdelay $0x4  }
0x2a: {  	v4 =	vld.idx.msk [tilespmem:v4+s3+$0x0], $0xffff;
	_ =	sdelay $0x4  }
0x2b: {  	v26 =	vadd.s32 $0x20, v3;
	vm11 =	vle.f32 v4, v2  }
0x2c: {  	v3 =	vsel vm11, v26, v3  }
0x2d: {  	v4 =	vadd.s32 $0xF, v3;
	_ =	sdelay $0x4  }
0x2e: {  	v4 =	vld.idx.msk [tilespmem:v4+s3+$0x0], $0xffff;
	_ =	sdelay $0x4  }
0x2f: {  	v27 =	vadd.s32 $0x10, v3;
	vm12 =	vle.f32 v4, v2  }
0x30: {  	v3 =	vsel vm12, v27, v3  }
0x31: {  	v4 =	vadd.s32 $0x7, v3;
	_ =	sdelay $0x4  }
0x32: {  	v4 =	vld.idx.msk [tilespmem:v4+s3+$0x0], $0xffff;
	_ =	sdelay $0x4  }
0x33: {  	v28 =	vadd.s32 $0x8, v3;
	vm13 =	vle.f32 v4, v2  }
0x34: {  	v3 =	vsel vm13, v28, v3  }
0x35: {  	v4 =	vadd.s32 $0x3, v3;
	_ =	sdelay $0x4  }
0x36: {  	v4 =	vld.idx.msk [tilespmem:v4+s3+$0x0], $0xffff;
	_ =	sdelay $0x4  }
0x37: {  	v29 =	vadd.s32 $0x4, v3;
	vm14 =	vle.f32 v4, v2  }
0x38: {  	v3 =	vsel vm14, v29, v3  }
0x39: {  	v4 =	vadd.s32 $0x1, v3;
	_ =	sdelay $0x4  }
0x3a: {  	v4 =	vld.idx.msk [tilespmem:v4+s3+$0x0], $0xffff;
	_ =	sdelay $0x4  }
0x3b: {  	v30 =	vadd.s32 $0x2, v3;
	vm15 =	vle.f32 v4, v2  }
0x3c: {  	v3 =	vsel vm15, v30, v3;
	_ =	sdelay $0x4  }
0x3d: {  	v4 =	vld.idx.msk [tilespmem:v3+s3+$0x0], $0xffff;
	_ =	sdelay $0x4  }
0x3e: {  	vm4 =	vle.f32 v4, v2  }
0x3f: {  	v4 =	vsel vm4, $0x1, v1  }
0x40: {  	v3 =	vadd.s32 v4, v3  }
0x41: {  	v3 =	vmax.u32 v3, $0xF  }
0x42: {  	v4 =	vmin.u32 v3, $0x3EF  }
0x43: {  	v5 =	vadd.s32 $0xFFFFFFF1, v4  }
0x44: {  	v7 =	vadd.s32 $0xFFFFFFF2, v4;
	_ =	sdelay $0x1  }
0x45: {  	v10 =	vadd.s32 $0xFFFFFFF3, v4  }
0x46: {  	v12 =	vadd.s32 $0xFFFFFFF4, v4  }
0x47: {  	v15 =	vadd.s32 $0xFFFFFFF5, v4;
	v6 =	vld.idx.msk [tilespmem:v5+s3+$0x0], $0xffff  }
0x48: {  	v17 =	vadd.s32 $0xFFFFFFF6, v4;
	v9 =	vld.idx.msk [tilespmem:v7+s3+$0x0], $0xffff  }
0x49: {  	v39 =	vadd.s32 $0xFFFFFFF7, v4;
	v5 =	vld.idx.msk [tilespmem:v5+s11+$0x0], $0xffff  }
0x4a: {  	v45 =	vadd.s32 $0xFFFFFFF8, v4;
	v11 =	vld.idx.msk [tilespmem:v10+s3+$0x0], $0xffff  }
0x4b: {  	v51 =	vadd.s32 $0xFFFFFFF9, v4;
	v14 =	vld.idx.msk [tilespmem:v12+s3+$0x0], $0xffff  }
0x4c: {  	v3 =	vmul.f32 v2, v2;
	v57 =	vadd.s32 $0xFFFFFFFA, v4;
	v16 =	vld.idx.msk [tilespmem:v15+s3+$0x0], $0xffff  }
0x4d: {  	v63 =	vadd.s32 $0xFFFFFFFB, v4;
	v38 =	vld.idx.msk [tilespmem:v17+s3+$0x0], $0xffff;
	v8 =	vmul.f32 v6, v2;
	v6 =	vmul.f32 v6, v6  }
0x4e: {  	v44 =	vld.idx.msk [tilespmem:v39+s3+$0x0], $0xffff;
	v31 =	vmul.f32 v9, v2;
	v9 =	vmul.f32 v9, v9  }
0x4f: {  	v50 =	vld.idx.msk [tilespmem:v45+s3+$0x0], $0xffff;
	v13 =	vmul.f32 v11, v2;
	v11 =	vmul.f32 v11, v11  }
0x50: {  	v56 =	vld.idx.msk [tilespmem:v51+s3+$0x0], $0xffff;
	v33 =	vmul.f32 v14, v2;
	v36 =	vmul.f32 v14, v14  }
0x51: {  	v62 =	vld.idx.msk [tilespmem:v57+s3+$0x0], $0xffff;
	v37 =	vmul.f32 v16, v2;
	v42 =	vmul.f32 v16, v16  }
0x52: {  	v24 =	vld.idx.msk [tilespmem:v63+s3+$0x0], $0xffff;
	v43 =	vmul.f32 v38, v2;
	v48 =	vmul.f32 v38, v38;
	v8 =	vadd.f32 v8, v8  }
0x53: {  	v25 =	vadd.s32 $0xFFFFFFFC, v4;
	v49 =	vmul.f32 v44, v2;
	v54 =	vmul.f32 v44, v44  }
0x54: {  	v55 =	vmul.f32 v50, v2;
	v60 =	vmul.f32 v50, v50;
	v8 =	vsub.f32 v3, v8  }
0x55: {  	vm2 =	vlt.s32 v5, $0x40000000;
	v61 =	vmul.f32 v56, v2;
	v22 =	vmul.f32 v56, v56  }
0x56: {  	v23 =	vmul.f32 v62, v2;
	v28 =	vmul.f32 v62, v62;
	v6 =	vadd.f32 v8, v6  }
0x57: {  	v29 =	vmul.f32 v24, v2;
	v32 =	vadd.f32 v13, v13;
	v8 =	vadd.f32 v31, v31  }
0x58: {  	v7 =	vld.idx.msk [tilespmem:v7+s11+$0x0], $0xffff;
	v34 =	vadd.f32 v33, v33;
	v40 =	vadd.f32 v37, v37;
	vm5 =	vlt.f32 v6, $+Inf  }
0x59: {  	vm1 =	vgt.f32 v6, $+Inf;
	vm6 =	veq.f32 v6, $+Inf;
	v8 =	vsub.f32 v3, v8  }
0x5a: {  	v46 =	vadd.f32 v43, v43;
	vm0 =	vmor vm1, vm5;
	vm1 =	vmand vm2, vm6  }
0x5b: {  	v52 =	vadd.f32 v49, v49;
	vm0 =	vmor vm0, vm1;
	v8 =	vadd.f32 v8, v9  }
0x5c: {  	v10 =	vld.idx.msk [tilespmem:v10+s11+$0x0], $0xffff;
	v58 =	vadd.f32 v55, v55;
	v6 =	vnsel vm0, $0x7F800000, v6;
	v5 =	vnsel vm0, $0x40000000, v5  }
0x5d: {  	v9 =	vsub.f32 v3, v32;
	vm8 =	veq.f32 v8, v6;
	vm9 =	vlt.s32 v7, v5  }
0x5e: {  	v20 =	vadd.f32 v61, v61;
	vm7 =	vlt.f32 v8, v6;
	vm1 =	vmand vm8, vm9  }
0x5f: {  	v26 =	vadd.f32 v23, v23;
	v9 =	vadd.f32 v9, v11;
	vm0 =	vmor vm7, vm1  }
0x60: {  	v35 =	vld.idx.msk [tilespmem:v12+s11+$0x0], $0xffff;
	v31 =	vadd.s32 $0xFFFFFFFD, v4;
	v6 =	vsel vm0, v8, v6;
	v5 =	vsel vm0, v7, v5  }
0x61: {  	v8 =	vsub.f32 v3, v34;
	vm11 =	veq.f32 v9, v6;
	vm12 =	vlt.s32 v10, v5  }
0x62: {  	v30 =	vld.idx.msk [tilespmem:v25+s3+$0x0], $0xffff;
	v37 =	vadd.s32 $0xFFFFFFFE, v4;
	vm10 =	vlt.f32 v9, v6;
	vm1 =	vmand vm11, vm12  }
0x63: {  	v43 =	vadd.s32 $0xFFFFFFFF, v4;
	v8 =	vadd.f32 v8, v36;
	vm0 =	vmor vm10, vm1  }
0x64: {  	v41 =	vld.idx.msk [tilespmem:v15+s11+$0x0], $0xffff;
	v32 =	vadd.f32 v29, v29;
	v6 =	vsel vm0, v9, v6;
	v5 =	vsel vm0, v10, v5  }
0x65: {  	v36 =	vld.idx.msk [tilespmem:v31+s3+$0x0], $0xffff;
	v9 =	vsub.f32 v3, v40;
	vm14 =	veq.f32 v8, v6;
	vm15 =	vlt.s32 v35, v5  }
0x66: {  	v34 =	vmul.f32 v24, v24;
	vm13 =	vlt.f32 v8, v6;
	vm1 =	vmand vm14, vm15  }
0x67: {  	v40 =	vmul.f32 v30, v30;
	v9 =	vadd.f32 v9, v42;
	vm0 =	vmor vm13, vm1  }
0x68: {  	v47 =	vld.idx.msk [tilespmem:v17+s11+$0x0], $0xffff;
	v6 =	vsel vm0, v8, v6;
	v5 =	vsel vm0, v35, v5;
	v8 =	vsub.f32 v3, v46  }
0x69: {  	v42 =	vld.idx.msk [tilespmem:v37+s3+$0x0], $0xffff;
	v35 =	vmul.f32 v30, v2;
	vm5 =	veq.f32 v9, v6;
	vm6 =	vlt.s32 v41, v5  }
0x6a: {  	v46 =	vmul.f32 v36, v36;
	vm4 =	vlt.f32 v9, v6;
	vm1 =	vmand vm5, vm6  }
0x6b: {  	v8 =	vadd.f32 v8, v48;
	v38 =	vadd.f32 v35, v35;
	vm0 =	vmor vm4, vm1  }
0x6c: {  	v53 =	vld.idx.msk [tilespmem:v39+s11+$0x0], $0xffff;
	v6 =	vsel vm0, v9, v6;
	v5 =	vsel vm0, v41, v5;
	v9 =	vsub.f32 v3, v52  }
0x6d: {  	v48 =	vld.idx.msk [tilespmem:v43+s3+$0x0], $0xffff;
	v41 =	vmul.f32 v36, v2;
	vm8 =	veq.f32 v8, v6;
	vm9 =	vlt.s32 v47, v5  }
0x6e: {  	v21 =	vld.idx.msk [tilespmem:v51+s11+$0x0], $0xffff;
	v51 =	vmul.f32 v42, v42;
	vm7 =	vlt.f32 v8, v6;
	vm1 =	vmand vm8, vm9  }
0x6f: {  	v9 =	vadd.f32 v9, v54;
	v44 =	vadd.f32 v41, v41;
	vm0 =	vmor vm7, vm1  }
0x70: {  	v59 =	vld.idx.msk [tilespmem:v45+s11+$0x0], $0xffff;
	v54 =	vadd.s32 $0x1, v4;
	v6 =	vsel vm0, v8, v6;
	v5 =	vsel vm0, v47, v5  }
0x71: {  	v8 =	vsub.f32 v3, v58;
	vm11 =	veq.f32 v9, v6;
	vm12 =	vlt.s32 v53, v5  }
0x72: {  	v52 =	vmul.f32 v48, v2;
	vm10 =	vlt.f32 v9, v6;
	vm1 =	vmand vm11, vm12  }
0x73: {  	v27 =	vld.idx.msk [tilespmem:v57+s11+$0x0], $0xffff;
	v57 =	vmul.f32 v48, v48;
	v8 =	vadd.f32 v8, v60;
	vm0 =	vmor vm10, vm1  }
0x74: {  	v47 =	vmul.f32 v42, v2;
	v6 =	vsel vm0, v9, v6;
	v5 =	vsel vm0, v53, v5  }
0x75: {  	v9 =	vsub.f32 v3, v20;
	vm14 =	veq.f32 v8, v6;
	vm15 =	vlt.s32 v59, v5  }
0x76: {  	v55 =	vadd.f32 v52, v52;
	vm13 =	vlt.f32 v8, v6;
	vm1 =	vmand vm14, vm15  }
0x77: {  	v52 =	vadd.s32 $0x8, v4;
	v53 =	vld.idx.msk [tilespmem:v4+s3+$0x0], $0xffff;
	v9 =	vadd.f32 v9, v22;
	vm0 =	vmor vm13, vm1  }
0x78: {  	v49 =	vadd.f32 v47, v47;
	v6 =	vsel vm0, v8, v6;
	v5 =	vsel vm0, v59, v5  }
0x79: {  	v8 =	vsub.f32 v3, v26;
	vm5 =	veq.f32 v9, v6;
	vm6 =	vlt.s32 v21, v5  }
0x7a: {  	v60 =	vadd.s32 $0x2, v4;
	vm4 =	vlt.f32 v9, v6;
	vm1 =	vmand vm5, vm6  }
0x7b: {  	v22 =	vadd.s32 $0x3, v4;
	v8 =	vadd.f32 v8, v28;
	vm0 =	vmor vm4, vm1  }
0x7c: {  	v33 =	vld.idx.msk [tilespmem:v63+s11+$0x0], $0xffff;
	v58 =	vmul.f32 v53, v2;
	v6 =	vsel vm0, v9, v6;
	v5 =	vsel vm0, v21, v5  }
0x7d: {  	v9 =	vsub.f32 v3, v32;
	vm8 =	veq.f32 v8, v6;
	vm9 =	vlt.s32 v27, v5  }
0x7e: {  	v59 =	vld.idx.msk [tilespmem:v54+s3+$0x0], $0xffff;
	v63 =	vmul.f32 v53, v53;
	vm7 =	vlt.f32 v8, v6;
	vm1 =	vmand vm8, vm9  }
0x7f: {  	v28 =	vadd.s32 $0x4, v4;
	v9 =	vadd.f32 v9, v34;
	vm0 =	vmor vm7, vm1  }
0x80: {  	v39 =	vld.idx.msk [tilespmem:v25+s11+$0x0], $0xffff;
	v61 =	vadd.f32 v58, v58;
	v6 =	vsel vm0, v8, v6;
	v5 =	vsel vm0, v27, v5  }
0x81: {  	v8 =	vsub.f32 v3, v38;
	vm11 =	veq.f32 v9, v6;
	vm12 =	vlt.s32 v33, v5  }
0x82: {  	v58 =	vadd.s32 $0x9, v4;
	vm10 =	vlt.f32 v9, v6;
	vm1 =	vmand vm11, vm12  }
0x83: {  	v20 =	vmul.f32 v59, v2;
	v8 =	vadd.f32 v8, v40;
	vm0 =	vmor vm10, vm1  }
0x84: {  	v45 =	vld.idx.msk [tilespmem:v31+s11+$0x0], $0xffff;
	v25 =	vmul.f32 v59, v59;
	v6 =	vsel vm0, v9, v6;
	v5 =	vsel vm0, v33, v5  }
0x85: {  	v21 =	vld.idx.msk [tilespmem:v60+s3+$0x0], $0xffff;
	v9 =	vsub.f32 v3, v44;
	vm13 =	veq.f32 v8, v6;
	vm14 =	vlt.s32 v39, v5  }
0x86: {  	v34 =	vadd.s32 $0x5, v4;
	vm15 =	vlt.f32 v8, v6;
	vm0 =	vmand vm13, vm14  }
0x87: {  	v23 =	vadd.f32 v20, v20;
	v9 =	vadd.f32 v9, v46;
	vm0 =	vmor vm15, vm0  }
0x88: {  	v50 =	vld.idx.msk [tilespmem:v37+s11+$0x0], $0xffff;
	v20 =	vadd.s32 $0xA, v4;
	v6 =	vsel vm0, v8, v6;
	v5 =	vsel vm0, v39, v5  }
0x89: {  	v8 =	vsub.f32 v3, v49;
	vm5 =	veq.f32 v9, v6;
	vm6 =	vlt.s32 v45, v5  }
0x8a: {  	v26 =	vmul.f32 v21, v2;
	vm4 =	vlt.f32 v9, v6;
	vm1 =	vmand vm5, vm6  }
0x8b: {  	v27 =	vld.idx.msk [tilespmem:v22+s3+$0x0], $0xffff;
	v31 =	vmul.f32 v21, v21;
	v8 =	vadd.f32 v8, v51;
	vm0 =	vmor vm4, vm1  }
0x8c: {  	v56 =	vld.idx.msk [tilespmem:v43+s11+$0x0], $0xffff;
	v40 =	vadd.s32 $0x6, v4;
	v6 =	vsel vm0, v9, v6;
	v5 =	vsel vm0, v45, v5  }
0x8d: {  	v9 =	vsub.f32 v3, v55;
	vm8 =	veq.f32 v8, v6;
	vm9 =	vlt.s32 v50, v5  }
0x8e: {  	v29 =	vadd.f32 v26, v26;
	vm7 =	vlt.f32 v8, v6;
	vm1 =	vmand vm8, vm9  }
0x8f: {  	v26 =	vadd.s32 $0xB, v4;
	v9 =	vadd.f32 v9, v57;
	vm0 =	vmor vm7, vm1  }
0x90: {  	v62 =	vld.idx.msk [tilespmem:v4+s11+$0x0], $0xffff;
	v32 =	vmul.f32 v27, v2;
	v6 =	vsel vm0, v8, v6;
	v5 =	vsel vm0, v50, v5  }
0x91: {  	v8 =	vsub.f32 v3, v61;
	vm11 =	veq.f32 v9, v6;
	vm12 =	vlt.s32 v56, v5  }
0x92: {  	v33 =	vld.idx.msk [tilespmem:v28+s3+$0x0], $0xffff;
	v37 =	vmul.f32 v27, v27;
	vm10 =	vlt.f32 v9, v6;
	vm1 =	vmand vm11, vm12  }
0x93: {  	v46 =	vadd.s32 $0x7, v4;
	v8 =	vadd.f32 v8, v63;
	vm0 =	vmor vm10, vm1  }
0x94: {  	v24 =	vld.idx.msk [tilespmem:v54+s11+$0x0], $0xffff;
	v35 =	vadd.f32 v32, v32;
	v6 =	vsel vm0, v9, v6;
	v5 =	vsel vm0, v56, v5  }
0x95: {  	v9 =	vsub.f32 v3, v23;
	vm14 =	veq.f32 v8, v6;
	vm15 =	vlt.s32 v62, v5  }
0x96: {  	v32 =	vadd.s32 $0xC, v4;
	vm13 =	vlt.f32 v8, v6;
	vm1 =	vmand vm14, vm15  }
0x97: {  	v39 =	vld.idx.msk [tilespmem:v34+s3+$0x0], $0xffff;
	v38 =	vmul.f32 v33, v2;
	v9 =	vadd.f32 v9, v25;
	vm0 =	vmor vm13, vm1  }
0x98: {  	v30 =	vld.idx.msk [tilespmem:v60+s11+$0x0], $0xffff;
	v43 =	vmul.f32 v33, v33;
	v6 =	vsel vm0, v8, v6;
	v5 =	vsel vm0, v62, v5  }
0x99: {  	v8 =	vsub.f32 v3, v29;
	vm5 =	veq.f32 v9, v6;
	vm6 =	vlt.s32 v24, v5  }
0x9a: {  	v41 =	vadd.f32 v38, v38;
	vm4 =	vlt.f32 v9, v6;
	vm1 =	vmand vm5, vm6  }
0x9b: {  	v38 =	vadd.s32 $0xD, v4;
	v8 =	vadd.f32 v8, v31;
	vm0 =	vmor vm4, vm1  }
0x9c: {  	v36 =	vld.idx.msk [tilespmem:v22+s11+$0x0], $0xffff;
	v44 =	vmul.f32 v39, v2;
	v6 =	vsel vm0, v9, v6;
	v5 =	vsel vm0, v24, v5  }
0x9d: {  	v51 =	vld.idx.msk [tilespmem:v46+s3+$0x0], $0xffff;
	v9 =	vsub.f32 v3, v35;
	vm8 =	veq.f32 v8, v6;
	vm9 =	vlt.s32 v30, v5  }
0x9e: {  	v45 =	vld.idx.msk [tilespmem:v40+s3+$0x0], $0xffff;
	v49 =	vmul.f32 v39, v39;
	vm7 =	vlt.f32 v8, v6;
	vm1 =	vmand vm8, vm9  }
0x9f: {  	v47 =	vadd.f32 v44, v44;
	v9 =	vadd.f32 v9, v37;
	vm0 =	vmor vm7, vm1  }
0xa0: {  	v42 =	vld.idx.msk [tilespmem:v28+s11+$0x0], $0xffff;
	v44 =	vadd.s32 $0xE, v4;
	v6 =	vsel vm0, v8, v6;
	v5 =	vsel vm0, v30, v5  }
0xa1: {  	v8 =	vsub.f32 v3, v41;
	vm11 =	veq.f32 v9, v6;
	vm12 =	vlt.s32 v36, v5  }
0xa2: {  	v61 =	vmul.f32 v51, v51;
	vm10 =	vlt.f32 v9, v6;
	vm1 =	vmand vm11, vm12  }
0xa3: {  	v50 =	vmul.f32 v45, v2;
	v8 =	vadd.f32 v8, v43;
	vm0 =	vmor vm10, vm1  }
0xa4: {  	v48 =	vld.idx.msk [tilespmem:v34+s11+$0x0], $0xffff;
	v55 =	vmul.f32 v45, v45;
	v6 =	vsel vm0, v9, v6;
	v5 =	vsel vm0, v36, v5  }
0xa5: {  	v9 =	vsub.f32 v3, v47;
	vm14 =	veq.f32 v8, v6;
	vm15 =	vlt.s32 v42, v5  }
0xa6: {  	v53 =	vadd.f32 v50, v50;
	vm13 =	vlt.f32 v8, v6;
	vm1 =	vmand vm14, vm15  }
0xa7: {  	v57 =	vld.idx.msk [tilespmem:v52+s3+$0x0], $0xffff;
	v50 =	vadd.s32 $0xF, v4;
	v9 =	vadd.f32 v9, v49;
	vm0 =	vmor vm13, vm1  }
0xa8: {  	v54 =	vld.idx.msk [tilespmem:v40+s11+$0x0], $0xffff;
	v56 =	vmul.f32 v51, v2;
	v6 =	vsel vm0, v8, v6;
	v5 =	vsel vm0, v42, v5  }
0xa9: {  	v8 =	vsub.f32 v3, v53;
	vm5 =	veq.f32 v9, v6;
	vm6 =	vlt.s32 v48, v5  }
0xaa: {  	v4 =	vadd.s32 $0x10, v4;
	vm4 =	vlt.f32 v9, v6;
	vm1 =	vmand vm5, vm6  }
0xab: {  	v63 =	vld.idx.msk [tilespmem:v58+s3+$0x0], $0xffff;
	v59 =	vadd.f32 v56, v56;
	v8 =	vadd.f32 v8, v55;
	vm0 =	vmor vm4, vm1  }
0xac: {  	v60 =	vld.idx.msk [tilespmem:v46+s11+$0x0], $0xffff;
	v62 =	vmul.f32 v57, v2;
	v6 =	vsel vm0, v9, v6;
	v5 =	vsel vm0, v48, v5  }
0xad: {  	v9 =	vsub.f32 v3, v59;
	vm8 =	veq.f32 v8, v6;
	vm9 =	vlt.s32 v54, v5  }
0xae: {  	v23 =	vmul.f32 v57, v57;
	vm7 =	vlt.f32 v8, v6;
	vm1 =	vmand vm8, vm9  }
0xaf: {  	v25 =	vld.idx.msk [tilespmem:v20+s3+$0x0], $0xffff;
	v21 =	vadd.f32 v62, v62;
	v9 =	vadd.f32 v9, v61;
	vm0 =	vmor vm7, vm1  }
0xb0: {  	v22 =	vld.idx.msk [tilespmem:v52+s11+$0x0], $0xffff;
	v24 =	vmul.f32 v63, v2;
	v6 =	vsel vm0, v8, v6;
	v5 =	vsel vm0, v54, v5  }
0xb1: {  	v8 =	vsub.f32 v3, v21;
	vm11 =	veq.f32 v9, v6;
	vm12 =	vlt.s32 v60, v5  }
0xb2: {  	v29 =	vmul.f32 v63, v63;
	vm10 =	vlt.f32 v9, v6;
	vm1 =	vmand vm11, vm12  }
0xb3: {  	v31 =	vld.idx.msk [tilespmem:v26+s3+$0x0], $0xffff;
	v27 =	vadd.f32 v24, v24;
	v8 =	vadd.f32 v8, v23;
	vm0 =	vmor vm10, vm1  }
0xb4: {  	v28 =	vld.idx.msk [tilespmem:v58+s11+$0x0], $0xffff;
	v30 =	vmul.f32 v25, v2;
	v6 =	vsel vm0, v9, v6;
	v5 =	vsel vm0, v60, v5  }
0xb5: {  	v9 =	vsub.f32 v3, v27;
	vm14 =	veq.f32 v8, v6;
	vm15 =	vlt.s32 v22, v5  }
0xb6: {  	v35 =	vmul.f32 v25, v25;
	vm13 =	vlt.f32 v8, v6;
	vm1 =	vmand vm14, vm15  }
0xb7: {  	v37 =	vld.idx.msk [tilespmem:v32+s3+$0x0], $0xffff;
	v33 =	vadd.f32 v30, v30;
	v9 =	vadd.f32 v9, v29;
	vm0 =	vmor vm13, vm1  }
0xb8: {  	v34 =	vld.idx.msk [tilespmem:v20+s11+$0x0], $0xffff;
	v36 =	vmul.f32 v31, v2;
	v6 =	vsel vm0, v8, v6;
	v5 =	vsel vm0, v22, v5  }
0xb9: {  	v8 =	vsub.f32 v3, v33;
	vm5 =	veq.f32 v9, v6;
	vm6 =	vlt.s32 v28, v5  }
0xba: {  	v41 =	vmul.f32 v31, v31;
	vm4 =	vlt.f32 v9, v6;
	vm1 =	vmand vm5, vm6  }
0xbb: {  	v43 =	vld.idx.msk [tilespmem:v38+s3+$0x0], $0xffff;
	v39 =	vadd.f32 v36, v36;
	v8 =	vadd.f32 v8, v35;
	vm0 =	vmor vm4, vm1  }
0xbc: {  	v40 =	vld.idx.msk [tilespmem:v26+s11+$0x0], $0xffff;
	v42 =	vmul.f32 v37, v2;
	v6 =	vsel vm0, v9, v6;
	v5 =	vsel vm0, v28, v5  }
0xbd: {  	v9 =	vsub.f32 v3, v39;
	vm8 =	veq.f32 v8, v6;
	vm9 =	vlt.s32 v34, v5  }
0xbe: {  	v47 =	vmul.f32 v37, v37;
	vm7 =	vlt.f32 v8, v6;
	vm1 =	vmand vm8, vm9  }
0xbf: {  	v49 =	vld.idx.msk [tilespmem:v44+s3+$0x0], $0xffff;
	v45 =	vadd.f32 v42, v42;
	v9 =	vadd.f32 v9, v41;
	vm0 =	vmor vm7, vm1  }
0xc0: {  	v46 =	vld.idx.msk [tilespmem:v32+s11+$0x0], $0xffff;
	v48 =	vmul.f32 v43, v2;
	v6 =	vsel vm0, v8, v6;
	v5 =	vsel vm0, v34, v5  }
0xc1: {  	v8 =	vsub.f32 v3, v45;
	vm11 =	veq.f32 v9, v6;
	vm12 =	vlt.s32 v40, v5  }
0xc2: {  	v53 =	vmul.f32 v43, v43;
	vm10 =	vlt.f32 v9, v6;
	vm1 =	vmand vm11, vm12  }
0xc3: {  	v55 =	vld.idx.msk [tilespmem:v50+s3+$0x0], $0xffff;
	v51 =	vadd.f32 v48, v48;
	v8 =	vadd.f32 v8, v47;
	vm0 =	vmor vm10, vm1  }
0xc4: {  	v52 =	vld.idx.msk [tilespmem:v38+s11+$0x0], $0xffff;
	v54 =	vmul.f32 v49, v2;
	v6 =	vsel vm0, v9, v6;
	v5 =	vsel vm0, v40, v5  }
0xc5: {  	v9 =	vsub.f32 v3, v51;
	vm14 =	veq.f32 v8, v6;
	vm15 =	vlt.s32 v46, v5  }
0xc6: {  	v58 =	vmul.f32 v49, v49;
	vm13 =	vlt.f32 v8, v6;
	vm1 =	vmand vm14, vm15  }
0xc7: {  	v56 =	vadd.f32 v54, v54;
	v60 =	vld.idx.msk [tilespmem:v4+s3+$0x0], $0xffff;
	v9 =	vadd.f32 v9, v53;
	vm0 =	vmor vm13, vm1  }
0xc8: {  	v57 =	vld.idx.msk [tilespmem:v44+s11+$0x0], $0xffff;
	v59 =	vmul.f32 v55, v2;
	v6 =	vsel vm0, v8, v6;
	v5 =	vsel vm0, v46, v5  }
0xc9: {  	v8 =	vsub.f32 v3, v56;
	vm4 =	veq.f32 v9, v6;
	vm5 =	vlt.s32 v52, v5  }
0xca: {  	v63 =	vmul.f32 v55, v55;
	vm6 =	vlt.f32 v9, v6;
	vm0 =	vmand vm4, vm5  }
0xcb: {  	v61 =	vadd.f32 v59, v59;
	v8 =	vadd.f32 v8, v58;
	vm0 =	vmor vm6, vm0  }
0xcc: {  	v62 =	vld.idx.msk [tilespmem:v50+s11+$0x0], $0xffff;
	v2 =	vmul.f32 v60, v2;
	v6 =	vsel vm0, v9, v6;
	v5 =	vsel vm0, v52, v5  }
0xcd: {  	v9 =	vsub.f32 v3, v61;
	vm7 =	veq.f32 v8, v6;
	vm8 =	vlt.s32 v57, v5  }
0xce: {  	v2 =	vadd.f32 v2, v2;
	vm9 =	vlt.f32 v8, v6;
	vm0 =	vmand vm7, vm8  }
0xcf: {  	v9 =	vadd.f32 v9, v63;
	vm0 =	vmor vm9, vm0  }
0xd0: {  	v4 =	vld.idx.msk [tilespmem:v4+s11+$0x0], $0xffff;
	v2 =	vsub.f32 v3, v2;
	v6 =	vsel vm0, v8, v6;
	v5 =	vsel vm0, v57, v5  }
0xd1: {  	v3 =	vmul.f32 v60, v60;
	vm10 =	veq.f32 v9, v6;
	vm11 =	vlt.s32 v62, v5  }
0xd2: {  	vm12 =	vlt.f32 v9, v6;
	vm0 =	vmand vm10, vm11  }
0xd3: {  	v2 =	vadd.f32 v2, v3;
	vm0 =	vmor vm12, vm0  }
0xd4: {  	p0 =	sne.s32 s15, $0x1FFC0;
	v3 =	vsel vm0, v9, v6;
	v5 =	vsel vm0, v62, v5  }
.Ltmp0:
0xd5: {  	vm13 =	veq.f32 v2, v3;
	vm14 =	vlt.s32 v4, v5;
	(pc) =	sbr.rel @p0 .LBB2_2-.Ltmp0, $4  }
0xd6: {  	vm15 =	vlt.f32 v2, v3;
	vm0 =	vmand vm13, vm14  }
0xd7: {  	vm0 =	vmor vm15, vm0  }
0xd8: {  	v2 =	vsel vm0, v4, v5  }
0xd9: {  	s15 =	sadd.s32 $0x40, s15;
	[tilespmem:s16+$0x8800] =	vst v2  }
0xda: {  	s15 =	simm.s32 $0x0  }
0xdb: {  	[hbm4b:s6+s15] =	stream.linear.scatter [tilespmem:s13], [sflag:$0x1], $0x8000, $0x38;
	[tilespmem:$0x10800] =	vst v63  }
0xdc: {  	_ =	swait.ge [sflag:s10], $0x8000  }
0xdd: {  	[sflag:s10] =	ssyncset.done $0x0  }
0xde: {  	[sflag:s10] =	ssyncadd.s32 $0xFFFF8000  }
0xdf: {  	[tilespmem:s12], [sflag:$0x1] =	stream.linear.gather [hbm4b:s7+s15], $0x8000, $0x38;
	[tilespmem:$0x10800] =	vst v63  }
0xe0: {  	_ =	swait.ge [sflag:s10], $0x8000  }
0xe1: {  	[sflag:s10] =	ssyncset.done $0x0  }
0xe2: {  	[sflag:s10] =	ssyncadd.s32 $0xFFFF8000  }
.LBB2_4:
0xe3: {  	s16 =	sshra.s32 s15, $0x2;
	v3 =	vld.idx.msk [tilespmem:v0+s3+$0x0], $0xffff  }
0xe4: {  	v2 =	vld [tilespmem:s16+$0x800];
	_ =	sdelay $0x4  }
0xe5: {  	vm0 =	vle.f32 v3, v2  }
0xe6: {  	v3 =	vsel vm0, $0x200, v1  }
0xe7: {  	v4 =	vor.u32 $0xFF, v3;
	_ =	sdelay $0x4  }
0xe8: {  	v4 =	vld.idx.msk [tilespmem:v4+s3+$0x0], $0xffff;
	_ =	sdelay $0x4  }
0xe9: {  	v23 =	vor.u32 $0x100, v3;
	vm8 =	vle.f32 v4, v2  }
0xea: {  	v3 =	vsel vm8, v23, v3  }
0xeb: {  	v4 =	vor.u32 $0x7F, v3;
	_ =	sdelay $0x4  }
0xec: {  	v4 =	vld.idx.msk [tilespmem:v4+s3+$0x0], $0xffff;
	_ =	sdelay $0x4  }
0xed: {  	v24 =	vor.u32 $0x80, v3;
	vm9 =	vle.f32 v4, v2  }
0xee: {  	v3 =	vsel vm9, v24, v3  }
0xef: {  	v4 =	vor.u32 $0x3F, v3;
	_ =	sdelay $0x4  }
0xf0: {  	v4 =	vld.idx.msk [tilespmem:v4+s3+$0x0], $0xffff;
	_ =	sdelay $0x4  }
0xf1: {  	v25 =	vor.u32 $0x40, v3;
	vm10 =	vle.f32 v4, v2  }
0xf2: {  	v3 =	vsel vm10, v25, v3  }
0xf3: {  	v4 =	vadd.s32 $0x1F, v3;
	_ =	sdelay $0x4  }
0xf4: {  	v4 =	vld.idx.msk [tilespmem:v4+s3+$0x0], $0xffff;
	_ =	sdelay $0x4  }
0xf5: {  	v26 =	vadd.s32 $0x20, v3;
	vm11 =	vle.f32 v4, v2  }
0xf6: {  	v3 =	vsel vm11, v26, v3  }
0xf7: {  	v4 =	vadd.s32 $0xF, v3;
	_ =	sdelay $0x4  }
0xf8: {  	v4 =	vld.idx.msk [tilespmem:v4+s3+$0x0], $0xffff;
	_ =	sdelay $0x4  }
0xf9: {  	v27 =	vadd.s32 $0x10, v3;
	vm12 =	vle.f32 v4, v2  }
0xfa: {  	v3 =	vsel vm12, v27, v3  }
0xfb: {  	v4 =	vadd.s32 $0x7, v3;
	_ =	sdelay $0x4  }
0xfc: {  	v4 =	vld.idx.msk [tilespmem:v4+s3+$0x0], $0xffff;
	_ =	sdelay $0x4  }
0xfd: {  	v28 =	vadd.s32 $0x8, v3;
	vm13 =	vle.f32 v4, v2  }
0xfe: {  	v3 =	vsel vm13, v28, v3  }
0xff: {  	v4 =	vadd.s32 $0x3, v3;
	_ =	sdelay $0x4  }
0x100: {  	v4 =	vld.idx.msk [tilespmem:v4+s3+$0x0], $0xffff;
	_ =	sdelay $0x4  }
0x101: {  	v29 =	vadd.s32 $0x4, v3;
	vm14 =	vle.f32 v4, v2  }
0x102: {  	v3 =	vsel vm14, v29, v3  }
0x103: {  	v4 =	vadd.s32 $0x1, v3;
	_ =	sdelay $0x4  }
0x104: {  	v4 =	vld.idx.msk [tilespmem:v4+s3+$0x0], $0xffff;
	_ =	sdelay $0x4  }
0x105: {  	v30 =	vadd.s32 $0x2, v3;
	vm15 =	vle.f32 v4, v2  }
0x106: {  	v3 =	vsel vm15, v30, v3;
	_ =	sdelay $0x4  }
0x107: {  	v4 =	vld.idx.msk [tilespmem:v3+s3+$0x0], $0xffff;
	_ =	sdelay $0x4  }
0x108: {  	vm4 =	vle.f32 v4, v2  }
0x109: {  	v4 =	vsel vm4, $0x1, v1  }
0x10a: {  	v3 =	vadd.s32 v4, v3  }
0x10b: {  	v3 =	vmax.u32 v3, $0xF  }
0x10c: {  	v4 =	vmin.u32 v3, $0x3EF  }
0x10d: {  	v5 =	vadd.s32 $0xFFFFFFF1, v4  }
0x10e: {  	v7 =	vadd.s32 $0xFFFFFFF2, v4;
	_ =	sdelay $0x1  }
0x10f: {  	v10 =	vadd.s32 $0xFFFFFFF3, v4  }
0x110: {  	v12 =	vadd.s32 $0xFFFFFFF4, v4  }
0x111: {  	v15 =	vadd.s32 $0xFFFFFFF5, v4;
	v6 =	vld.idx.msk [tilespmem:v5+s3+$0x0], $0xffff  }
0x112: {  	v17 =	vadd.s32 $0xFFFFFFF6, v4;
	v9 =	vld.idx.msk [tilespmem:v7+s3+$0x0], $0xffff  }
0x113: {  	v39 =	vadd.s32 $0xFFFFFFF7, v4;
	v5 =	vld.idx.msk [tilespmem:v5+s11+$0x0], $0xffff  }
0x114: {  	v45 =	vadd.s32 $0xFFFFFFF8, v4;
	v11 =	vld.idx.msk [tilespmem:v10+s3+$0x0], $0xffff  }
0x115: {  	v51 =	vadd.s32 $0xFFFFFFF9, v4;
	v14 =	vld.idx.msk [tilespmem:v12+s3+$0x0], $0xffff  }
0x116: {  	v3 =	vmul.f32 v2, v2;
	v57 =	vadd.s32 $0xFFFFFFFA, v4;
	v16 =	vld.idx.msk [tilespmem:v15+s3+$0x0], $0xffff  }
0x117: {  	v63 =	vadd.s32 $0xFFFFFFFB, v4;
	v38 =	vld.idx.msk [tilespmem:v17+s3+$0x0], $0xffff;
	v8 =	vmul.f32 v6, v2;
	v6 =	vmul.f32 v6, v6  }
0x118: {  	v44 =	vld.idx.msk [tilespmem:v39+s3+$0x0], $0xffff;
	v31 =	vmul.f32 v9, v2;
	v9 =	vmul.f32 v9, v9  }
0x119: {  	v50 =	vld.idx.msk [tilespmem:v45+s3+$0x0], $0xffff;
	v13 =	vmul.f32 v11, v2;
	v11 =	vmul.f32 v11, v11  }
0x11a: {  	v56 =	vld.idx.msk [tilespmem:v51+s3+$0x0], $0xffff;
	v33 =	vmul.f32 v14, v2;
	v36 =	vmul.f32 v14, v14  }
0x11b: {  	v62 =	vld.idx.msk [tilespmem:v57+s3+$0x0], $0xffff;
	v37 =	vmul.f32 v16, v2;
	v42 =	vmul.f32 v16, v16  }
0x11c: {  	v24 =	vld.idx.msk [tilespmem:v63+s3+$0x0], $0xffff;
	v43 =	vmul.f32 v38, v2;
	v48 =	vmul.f32 v38, v38;
	v8 =	vadd.f32 v8, v8  }
0x11d: {  	v25 =	vadd.s32 $0xFFFFFFFC, v4;
	v49 =	vmul.f32 v44, v2;
	v54 =	vmul.f32 v44, v44  }
0x11e: {  	v55 =	vmul.f32 v50, v2;
	v60 =	vmul.f32 v50, v50;
	v8 =	vsub.f32 v3, v8  }
0x11f: {  	vm2 =	vlt.s32 v5, $0x40000000;
	v61 =	vmul.f32 v56, v2;
	v22 =	vmul.f32 v56, v56  }
0x120: {  	v23 =	vmul.f32 v62, v2;
	v28 =	vmul.f32 v62, v62;
	v6 =	vadd.f32 v8, v6  }
0x121: {  	v29 =	vmul.f32 v24, v2;
	v32 =	vadd.f32 v13, v13;
	v8 =	vadd.f32 v31, v31  }
0x122: {  	v7 =	vld.idx.msk [tilespmem:v7+s11+$0x0], $0xffff;
	v34 =	vadd.f32 v33, v33;
	v40 =	vadd.f32 v37, v37;
	vm5 =	vlt.f32 v6, $+Inf  }
0x123: {  	vm1 =	vgt.f32 v6, $+Inf;
	vm6 =	veq.f32 v6, $+Inf;
	v8 =	vsub.f32 v3, v8  }
0x124: {  	v46 =	vadd.f32 v43, v43;
	vm0 =	vmor vm1, vm5;
	vm1 =	vmand vm2, vm6  }
0x125: {  	v52 =	vadd.f32 v49, v49;
	vm0 =	vmor vm0, vm1;
	v8 =	vadd.f32 v8, v9  }
0x126: {  	v10 =	vld.idx.msk [tilespmem:v10+s11+$0x0], $0xffff;
	v58 =	vadd.f32 v55, v55;
	v6 =	vnsel vm0, $0x7F800000, v6;
	v5 =	vnsel vm0, $0x40000000, v5  }
0x127: {  	v9 =	vsub.f32 v3, v32;
	vm8 =	veq.f32 v8, v6;
	vm9 =	vlt.s32 v7, v5  }
0x128: {  	v20 =	vadd.f32 v61, v61;
	vm7 =	vlt.f32 v8, v6;
	vm1 =	vmand vm8, vm9  }
0x129: {  	v26 =	vadd.f32 v23, v23;
	v9 =	vadd.f32 v9, v11;
	vm0 =	vmor vm7, vm1  }
0x12a: {  	v35 =	vld.idx.msk [tilespmem:v12+s11+$0x0], $0xffff;
	v31 =	vadd.s32 $0xFFFFFFFD, v4;
	v6 =	vsel vm0, v8, v6;
	v5 =	vsel vm0, v7, v5  }
0x12b: {  	v8 =	vsub.f32 v3, v34;
	vm11 =	veq.f32 v9, v6;
	vm12 =	vlt.s32 v10, v5  }
0x12c: {  	v30 =	vld.idx.msk [tilespmem:v25+s3+$0x0], $0xffff;
	v37 =	vadd.s32 $0xFFFFFFFE, v4;
	vm10 =	vlt.f32 v9, v6;
	vm1 =	vmand vm11, vm12  }
0x12d: {  	v43 =	vadd.s32 $0xFFFFFFFF, v4;
	v8 =	vadd.f32 v8, v36;
	vm0 =	vmor vm10, vm1  }
0x12e: {  	v41 =	vld.idx.msk [tilespmem:v15+s11+$0x0], $0xffff;
	v32 =	vadd.f32 v29, v29;
	v6 =	vsel vm0, v9, v6;
	v5 =	vsel vm0, v10, v5  }
0x12f: {  	v36 =	vld.idx.msk [tilespmem:v31+s3+$0x0], $0xffff;
	v9 =	vsub.f32 v3, v40;
	vm14 =	veq.f32 v8, v6;
	vm15 =	vlt.s32 v35, v5  }
0x130: {  	v34 =	vmul.f32 v24, v24;
	vm13 =	vlt.f32 v8, v6;
	vm1 =	vmand vm14, vm15  }
0x131: {  	v40 =	vmul.f32 v30, v30;
	v9 =	vadd.f32 v9, v42;
	vm0 =	vmor vm13, vm1  }
0x132: {  	v47 =	vld.idx.msk [tilespmem:v17+s11+$0x0], $0xffff;
	v6 =	vsel vm0, v8, v6;
	v5 =	vsel vm0, v35, v5;
	v8 =	vsub.f32 v3, v46  }
0x133: {  	v42 =	vld.idx.msk [tilespmem:v37+s3+$0x0], $0xffff;
	v35 =	vmul.f32 v30, v2;
	vm5 =	veq.f32 v9, v6;
	vm6 =	vlt.s32 v41, v5  }
0x134: {  	v46 =	vmul.f32 v36, v36;
	vm4 =	vlt.f32 v9, v6;
	vm1 =	vmand vm5, vm6  }
0x135: {  	v8 =	vadd.f32 v8, v48;
	v38 =	vadd.f32 v35, v35;
	vm0 =	vmor vm4, vm1  }
0x136: {  	v53 =	vld.idx.msk [tilespmem:v39+s11+$0x0], $0xffff;
	v6 =	vsel vm0, v9, v6;
	v5 =	vsel vm0, v41, v5;
	v9 =	vsub.f32 v3, v52  }
0x137: {  	v48 =	vld.idx.msk [tilespmem:v43+s3+$0x0], $0xffff;
	v41 =	vmul.f32 v36, v2;
	vm8 =	veq.f32 v8, v6;
	vm9 =	vlt.s32 v47, v5  }
0x138: {  	v21 =	vld.idx.msk [tilespmem:v51+s11+$0x0], $0xffff;
	v51 =	vmul.f32 v42, v42;
	vm7 =	vlt.f32 v8, v6;
	vm1 =	vmand vm8, vm9  }
0x139: {  	v9 =	vadd.f32 v9, v54;
	v44 =	vadd.f32 v41, v41;
	vm0 =	vmor vm7, vm1  }
0x13a: {  	v59 =	vld.idx.msk [tilespmem:v45+s11+$0x0], $0xffff;
	v54 =	vadd.s32 $0x1, v4;
	v6 =	vsel vm0, v8, v6;
	v5 =	vsel vm0, v47, v5  }
0x13b: {  	v8 =	vsub.f32 v3, v58;
	vm11 =	veq.f32 v9, v6;
	vm12 =	vlt.s32 v53, v5  }
0x13c: {  	v52 =	vmul.f32 v48, v2;
	vm10 =	vlt.f32 v9, v6;
	vm1 =	vmand vm11, vm12  }
0x13d: {  	v27 =	vld.idx.msk [tilespmem:v57+s11+$0x0], $0xffff;
	v57 =	vmul.f32 v48, v48;
	v8 =	vadd.f32 v8, v60;
	vm0 =	vmor vm10, vm1  }
0x13e: {  	v47 =	vmul.f32 v42, v2;
	v6 =	vsel vm0, v9, v6;
	v5 =	vsel vm0, v53, v5  }
0x13f: {  	v9 =	vsub.f32 v3, v20;
	vm14 =	veq.f32 v8, v6;
	vm15 =	vlt.s32 v59, v5  }
0x140: {  	v55 =	vadd.f32 v52, v52;
	vm13 =	vlt.f32 v8, v6;
	vm1 =	vmand vm14, vm15  }
0x141: {  	v52 =	vadd.s32 $0x8, v4;
	v53 =	vld.idx.msk [tilespmem:v4+s3+$0x0], $0xffff;
	v9 =	vadd.f32 v9, v22;
	vm0 =	vmor vm13, vm1  }
0x142: {  	v49 =	vadd.f32 v47, v47;
	v6 =	vsel vm0, v8, v6;
	v5 =	vsel vm0, v59, v5  }
0x143: {  	v8 =	vsub.f32 v3, v26;
	vm5 =	veq.f32 v9, v6;
	vm6 =	vlt.s32 v21, v5  }
0x144: {  	v60 =	vadd.s32 $0x2, v4;
	vm4 =	vlt.f32 v9, v6;
	vm1 =	vmand vm5, vm6  }
0x145: {  	v22 =	vadd.s32 $0x3, v4;
	v8 =	vadd.f32 v8, v28;
	vm0 =	vmor vm4, vm1  }
0x146: {  	v33 =	vld.idx.msk [tilespmem:v63+s11+$0x0], $0xffff;
	v58 =	vmul.f32 v53, v2;
	v6 =	vsel vm0, v9, v6;
	v5 =	vsel vm0, v21, v5  }
0x147: {  	v9 =	vsub.f32 v3, v32;
	vm8 =	veq.f32 v8, v6;
	vm9 =	vlt.s32 v27, v5  }
0x148: {  	v59 =	vld.idx.msk [tilespmem:v54+s3+$0x0], $0xffff;
	v63 =	vmul.f32 v53, v53;
	vm7 =	vlt.f32 v8, v6;
	vm1 =	vmand vm8, vm9  }
0x149: {  	v28 =	vadd.s32 $0x4, v4;
	v9 =	vadd.f32 v9, v34;
	vm0 =	vmor vm7, vm1  }
0x14a: {  	v39 =	vld.idx.msk [tilespmem:v25+s11+$0x0], $0xffff;
	v61 =	vadd.f32 v58, v58;
	v6 =	vsel vm0, v8, v6;
	v5 =	vsel vm0, v27, v5  }
0x14b: {  	v8 =	vsub.f32 v3, v38;
	vm11 =	veq.f32 v9, v6;
	vm12 =	vlt.s32 v33, v5  }
0x14c: {  	v58 =	vadd.s32 $0x9, v4;
	vm10 =	vlt.f32 v9, v6;
	vm1 =	vmand vm11, vm12  }
0x14d: {  	v20 =	vmul.f32 v59, v2;
	v8 =	vadd.f32 v8, v40;
	vm0 =	vmor vm10, vm1  }
0x14e: {  	v45 =	vld.idx.msk [tilespmem:v31+s11+$0x0], $0xffff;
	v25 =	vmul.f32 v59, v59;
	v6 =	vsel vm0, v9, v6;
	v5 =	vsel vm0, v33, v5  }
0x14f: {  	v21 =	vld.idx.msk [tilespmem:v60+s3+$0x0], $0xffff;
	v9 =	vsub.f32 v3, v44;
	vm13 =	veq.f32 v8, v6;
	vm14 =	vlt.s32 v39, v5  }
0x150: {  	v34 =	vadd.s32 $0x5, v4;
	vm15 =	vlt.f32 v8, v6;
	vm0 =	vmand vm13, vm14  }
0x151: {  	v23 =	vadd.f32 v20, v20;
	v9 =	vadd.f32 v9, v46;
	vm0 =	vmor vm15, vm0  }
0x152: {  	v50 =	vld.idx.msk [tilespmem:v37+s11+$0x0], $0xffff;
	v20 =	vadd.s32 $0xA, v4;
	v6 =	vsel vm0, v8, v6;
	v5 =	vsel vm0, v39, v5  }
0x153: {  	v8 =	vsub.f32 v3, v49;
	vm5 =	veq.f32 v9, v6;
	vm6 =	vlt.s32 v45, v5  }
0x154: {  	v26 =	vmul.f32 v21, v2;
	vm4 =	vlt.f32 v9, v6;
	vm1 =	vmand vm5, vm6  }
0x155: {  	v27 =	vld.idx.msk [tilespmem:v22+s3+$0x0], $0xffff;
	v31 =	vmul.f32 v21, v21;
	v8 =	vadd.f32 v8, v51;
	vm0 =	vmor vm4, vm1  }
0x156: {  	v56 =	vld.idx.msk [tilespmem:v43+s11+$0x0], $0xffff;
	v40 =	vadd.s32 $0x6, v4;
	v6 =	vsel vm0, v9, v6;
	v5 =	vsel vm0, v45, v5  }
0x157: {  	v9 =	vsub.f32 v3, v55;
	vm8 =	veq.f32 v8, v6;
	vm9 =	vlt.s32 v50, v5  }
0x158: {  	v29 =	vadd.f32 v26, v26;
	vm7 =	vlt.f32 v8, v6;
	vm1 =	vmand vm8, vm9  }
0x159: {  	v26 =	vadd.s32 $0xB, v4;
	v9 =	vadd.f32 v9, v57;
	vm0 =	vmor vm7, vm1  }
0x15a: {  	v62 =	vld.idx.msk [tilespmem:v4+s11+$0x0], $0xffff;
	v32 =	vmul.f32 v27, v2;
	v6 =	vsel vm0, v8, v6;
	v5 =	vsel vm0, v50, v5  }
0x15b: {  	v8 =	vsub.f32 v3, v61;
	vm11 =	veq.f32 v9, v6;
	vm12 =	vlt.s32 v56, v5  }
0x15c: {  	v33 =	vld.idx.msk [tilespmem:v28+s3+$0x0], $0xffff;
	v37 =	vmul.f32 v27, v27;
	vm10 =	vlt.f32 v9, v6;
	vm1 =	vmand vm11, vm12  }
0x15d: {  	v46 =	vadd.s32 $0x7, v4;
	v8 =	vadd.f32 v8, v63;
	vm0 =	vmor vm10, vm1  }
0x15e: {  	v24 =	vld.idx.msk [tilespmem:v54+s11+$0x0], $0xffff;
	v35 =	vadd.f32 v32, v32;
	v6 =	vsel vm0, v9, v6;
	v5 =	vsel vm0, v56, v5  }
0x15f: {  	v9 =	vsub.f32 v3, v23;
	vm14 =	veq.f32 v8, v6;
	vm15 =	vlt.s32 v62, v5  }
0x160: {  	v32 =	vadd.s32 $0xC, v4;
	vm13 =	vlt.f32 v8, v6;
	vm1 =	vmand vm14, vm15  }
0x161: {  	v39 =	vld.idx.msk [tilespmem:v34+s3+$0x0], $0xffff;
	v38 =	vmul.f32 v33, v2;
	v9 =	vadd.f32 v9, v25;
	vm0 =	vmor vm13, vm1  }
0x162: {  	v30 =	vld.idx.msk [tilespmem:v60+s11+$0x0], $0xffff;
	v43 =	vmul.f32 v33, v33;
	v6 =	vsel vm0, v8, v6;
	v5 =	vsel vm0, v62, v5  }
0x163: {  	v8 =	vsub.f32 v3, v29;
	vm5 =	veq.f32 v9, v6;
	vm6 =	vlt.s32 v24, v5  }
0x164: {  	v41 =	vadd.f32 v38, v38;
	vm4 =	vlt.f32 v9, v6;
	vm1 =	vmand vm5, vm6  }
0x165: {  	v38 =	vadd.s32 $0xD, v4;
	v8 =	vadd.f32 v8, v31;
	vm0 =	vmor vm4, vm1  }
0x166: {  	v36 =	vld.idx.msk [tilespmem:v22+s11+$0x0], $0xffff;
	v44 =	vmul.f32 v39, v2;
	v6 =	vsel vm0, v9, v6;
	v5 =	vsel vm0, v24, v5  }
0x167: {  	v51 =	vld.idx.msk [tilespmem:v46+s3+$0x0], $0xffff;
	v9 =	vsub.f32 v3, v35;
	vm8 =	veq.f32 v8, v6;
	vm9 =	vlt.s32 v30, v5  }
0x168: {  	v45 =	vld.idx.msk [tilespmem:v40+s3+$0x0], $0xffff;
	v49 =	vmul.f32 v39, v39;
	vm7 =	vlt.f32 v8, v6;
	vm1 =	vmand vm8, vm9  }
0x169: {  	v47 =	vadd.f32 v44, v44;
	v9 =	vadd.f32 v9, v37;
	vm0 =	vmor vm7, vm1  }
0x16a: {  	v42 =	vld.idx.msk [tilespmem:v28+s11+$0x0], $0xffff;
	v44 =	vadd.s32 $0xE, v4;
	v6 =	vsel vm0, v8, v6;
	v5 =	vsel vm0, v30, v5  }
0x16b: {  	v8 =	vsub.f32 v3, v41;
	vm11 =	veq.f32 v9, v6;
	vm12 =	vlt.s32 v36, v5  }
0x16c: {  	v61 =	vmul.f32 v51, v51;
	vm10 =	vlt.f32 v9, v6;
	vm1 =	vmand vm11, vm12  }
0x16d: {  	v50 =	vmul.f32 v45, v2;
	v8 =	vadd.f32 v8, v43;
	vm0 =	vmor vm10, vm1  }
0x16e: {  	v48 =	vld.idx.msk [tilespmem:v34+s11+$0x0], $0xffff;
	v55 =	vmul.f32 v45, v45;
	v6 =	vsel vm0, v9, v6;
	v5 =	vsel vm0, v36, v5  }
0x16f: {  	v9 =	vsub.f32 v3, v47;
	vm14 =	veq.f32 v8, v6;
	vm15 =	vlt.s32 v42, v5  }
0x170: {  	v53 =	vadd.f32 v50, v50;
	vm13 =	vlt.f32 v8, v6;
	vm1 =	vmand vm14, vm15  }
0x171: {  	v57 =	vld.idx.msk [tilespmem:v52+s3+$0x0], $0xffff;
	v50 =	vadd.s32 $0xF, v4;
	v9 =	vadd.f32 v9, v49;
	vm0 =	vmor vm13, vm1  }
0x172: {  	v54 =	vld.idx.msk [tilespmem:v40+s11+$0x0], $0xffff;
	v56 =	vmul.f32 v51, v2;
	v6 =	vsel vm0, v8, v6;
	v5 =	vsel vm0, v42, v5  }
0x173: {  	v8 =	vsub.f32 v3, v53;
	vm5 =	veq.f32 v9, v6;
	vm6 =	vlt.s32 v48, v5  }
0x174: {  	v4 =	vadd.s32 $0x10, v4;
	vm4 =	vlt.f32 v9, v6;
	vm1 =	vmand vm5, vm6  }
0x175: {  	v63 =	vld.idx.msk [tilespmem:v58+s3+$0x0], $0xffff;
	v59 =	vadd.f32 v56, v56;
	v8 =	vadd.f32 v8, v55;
	vm0 =	vmor vm4, vm1  }
0x176: {  	v60 =	vld.idx.msk [tilespmem:v46+s11+$0x0], $0xffff;
	v62 =	vmul.f32 v57, v2;
	v6 =	vsel vm0, v9, v6;
	v5 =	vsel vm0, v48, v5  }
0x177: {  	v9 =	vsub.f32 v3, v59;
	vm8 =	veq.f32 v8, v6;
	vm9 =	vlt.s32 v54, v5  }
0x178: {  	v23 =	vmul.f32 v57, v57;
	vm7 =	vlt.f32 v8, v6;
	vm1 =	vmand vm8, vm9  }
0x179: {  	v25 =	vld.idx.msk [tilespmem:v20+s3+$0x0], $0xffff;
	v21 =	vadd.f32 v62, v62;
	v9 =	vadd.f32 v9, v61;
	vm0 =	vmor vm7, vm1  }
0x17a: {  	v22 =	vld.idx.msk [tilespmem:v52+s11+$0x0], $0xffff;
	v24 =	vmul.f32 v63, v2;
	v6 =	vsel vm0, v8, v6;
	v5 =	vsel vm0, v54, v5  }
0x17b: {  	v8 =	vsub.f32 v3, v21;
	vm11 =	veq.f32 v9, v6;
	vm12 =	vlt.s32 v60, v5  }
0x17c: {  	v29 =	vmul.f32 v63, v63;
	vm10 =	vlt.f32 v9, v6;
	vm1 =	vmand vm11, vm12  }
0x17d: {  	v31 =	vld.idx.msk [tilespmem:v26+s3+$0x0], $0xffff;
	v27 =	vadd.f32 v24, v24;
	v8 =	vadd.f32 v8, v23;
	vm0 =	vmor vm10, vm1  }
0x17e: {  	v28 =	vld.idx.msk [tilespmem:v58+s11+$0x0], $0xffff;
	v30 =	vmul.f32 v25, v2;
	v6 =	vsel vm0, v9, v6;
	v5 =	vsel vm0, v60, v5  }
0x17f: {  	v9 =	vsub.f32 v3, v27;
	vm14 =	veq.f32 v8, v6;
	vm15 =	vlt.s32 v22, v5  }
0x180: {  	v35 =	vmul.f32 v25, v25;
	vm13 =	vlt.f32 v8, v6;
	vm1 =	vmand vm14, vm15  }
0x181: {  	v37 =	vld.idx.msk [tilespmem:v32+s3+$0x0], $0xffff;
	v33 =	vadd.f32 v30, v30;
	v9 =	vadd.f32 v9, v29;
	vm0 =	vmor vm13, vm1  }
0x182: {  	v34 =	vld.idx.msk [tilespmem:v20+s11+$0x0], $0xffff;
	v36 =	vmul.f32 v31, v2;
	v6 =	vsel vm0, v8, v6;
	v5 =	vsel vm0, v22, v5  }
0x183: {  	v8 =	vsub.f32 v3, v33;
	vm5 =	veq.f32 v9, v6;
	vm6 =	vlt.s32 v28, v5  }
0x184: {  	v41 =	vmul.f32 v31, v31;
	vm4 =	vlt.f32 v9, v6;
	vm1 =	vmand vm5, vm6  }
0x185: {  	v43 =	vld.idx.msk [tilespmem:v38+s3+$0x0], $0xffff;
	v39 =	vadd.f32 v36, v36;
	v8 =	vadd.f32 v8, v35;
	vm0 =	vmor vm4, vm1  }
0x186: {  	v40 =	vld.idx.msk [tilespmem:v26+s11+$0x0], $0xffff;
	v42 =	vmul.f32 v37, v2;
	v6 =	vsel vm0, v9, v6;
	v5 =	vsel vm0, v28, v5  }
0x187: {  	v9 =	vsub.f32 v3, v39;
	vm8 =	veq.f32 v8, v6;
	vm9 =	vlt.s32 v34, v5  }
0x188: {  	v47 =	vmul.f32 v37, v37;
	vm7 =	vlt.f32 v8, v6;
	vm1 =	vmand vm8, vm9  }
0x189: {  	v49 =	vld.idx.msk [tilespmem:v44+s3+$0x0], $0xffff;
	v45 =	vadd.f32 v42, v42;
	v9 =	vadd.f32 v9, v41;
	vm0 =	vmor vm7, vm1  }
0x18a: {  	v46 =	vld.idx.msk [tilespmem:v32+s11+$0x0], $0xffff;
	v48 =	vmul.f32 v43, v2;
	v6 =	vsel vm0, v8, v6;
	v5 =	vsel vm0, v34, v5  }
0x18b: {  	v8 =	vsub.f32 v3, v45;
	vm11 =	veq.f32 v9, v6;
	vm12 =	vlt.s32 v40, v5  }
0x18c: {  	v53 =	vmul.f32 v43, v43;
	vm10 =	vlt.f32 v9, v6;
	vm1 =	vmand vm11, vm12  }
0x18d: {  	v55 =	vld.idx.msk [tilespmem:v50+s3+$0x0], $0xffff;
	v51 =	vadd.f32 v48, v48;
	v8 =	vadd.f32 v8, v47;
	vm0 =	vmor vm10, vm1  }
0x18e: {  	v52 =	vld.idx.msk [tilespmem:v38+s11+$0x0], $0xffff;
	v54 =	vmul.f32 v49, v2;
	v6 =	vsel vm0, v9, v6;
	v5 =	vsel vm0, v40, v5  }
0x18f: {  	v9 =	vsub.f32 v3, v51;
	vm14 =	veq.f32 v8, v6;
	vm15 =	vlt.s32 v46, v5  }
0x190: {  	v58 =	vmul.f32 v49, v49;
	vm13 =	vlt.f32 v8, v6;
	vm1 =	vmand vm14, vm15  }
0x191: {  	v56 =	vadd.f32 v54, v54;
	v60 =	vld.idx.msk [tilespmem:v4+s3+$0x0], $0xffff;
	v9 =	vadd.f32 v9, v53;
	vm0 =	vmor vm13, vm1  }
0x192: {  	v57 =	vld.idx.msk [tilespmem:v44+s11+$0x0], $0xffff;
	v59 =	vmul.f32 v55, v2;
	v6 =	vsel vm0, v8, v6;
	v5 =	vsel vm0, v46, v5  }
0x193: {  	v8 =	vsub.f32 v3, v56;
	vm4 =	veq.f32 v9, v6;
	vm5 =	vlt.s32 v52, v5  }
0x194: {  	v63 =	vmul.f32 v55, v55;
	vm6 =	vlt.f32 v9, v6;
	vm0 =	vmand vm4, vm5  }
0x195: {  	v61 =	vadd.f32 v59, v59;
	v8 =	vadd.f32 v8, v58;
	vm0 =	vmor vm6, vm0  }
0x196: {  	v62 =	vld.idx.msk [tilespmem:v50+s11+$0x0], $0xffff;
	v2 =	vmul.f32 v60, v2;
	v6 =	vsel vm0, v9, v6;
	v5 =	vsel vm0, v52, v5  }
0x197: {  	v9 =	vsub.f32 v3, v61;
	vm7 =	veq.f32 v8, v6;
	vm8 =	vlt.s32 v57, v5  }
0x198: {  	v2 =	vadd.f32 v2, v2;
	vm9 =	vlt.f32 v8, v6;
	vm0 =	vmand vm7, vm8  }
0x199: {  	v9 =	vadd.f32 v9, v63;
	vm0 =	vmor vm9, vm0  }
0x19a: {  	v4 =	vld.idx.msk [tilespmem:v4+s11+$0x0], $0xffff;
	v2 =	vsub.f32 v3, v2;
	v6 =	vsel vm0, v8, v6;
	v5 =	vsel vm0, v57, v5  }
0x19b: {  	v3 =	vmul.f32 v60, v60;
	vm10 =	veq.f32 v9, v6;
	vm11 =	vlt.s32 v62, v5  }
0x19c: {  	vm12 =	vlt.f32 v9, v6;
	vm0 =	vmand vm10, vm11  }
0x19d: {  	v2 =	vadd.f32 v2, v3;
	vm0 =	vmor vm12, vm0  }
0x19e: {  	p0 =	sne.s32 s15, $0x1FFC0;
	v3 =	vsel vm0, v9, v6;
	v5 =	vsel vm0, v62, v5  }
.Ltmp1:
0x19f: {  	vm13 =	veq.f32 v2, v3;
	vm14 =	vlt.s32 v4, v5;
	(pc) =	sbr.rel @p0 .LBB2_4-.Ltmp1, $4  }
0x1a0: {  	vm15 =	vlt.f32 v2, v3;
	vm0 =	vmand vm13, vm14  }
0x1a1: {  	vm0 =	vmor vm15, vm0  }
0x1a2: {  	v2 =	vsel vm0, v4, v5  }
0x1a3: {  	s15 =	sadd.s32 $0x40, s15;
	[tilespmem:s16+$0x8800] =	vst v2  }
0x1a4: {  	s14 =	sadd.s32 $0x1, s14  }
0x1a5: {  	p0 =	sne.s32 s14, s9  }
.Ltmp2:
0x1a6: {  	_ = 	snop;
	(pc) =	sbr.rel @p0 .LBB2_1-.Ltmp2, $4  }
0x1a7: {  	[hbm4b:s8+s3] =	stream.linear.scatter [tilespmem:s13], [sflag:$0x1], $0x8000, $0x38;
	[tilespmem:$0x10800] =	vst v63  }
0x1a8: {  	_ =	swait.ge [sflag:s10], $0x8000  }
0x1a9: {  	[sflag:s10] =	ssyncset.done $0x0  }
0x1aa: {  	[sflag:s10] =	ssyncadd.s32 $0xFFFF8000  }
0x1ab: {  	_ =	sfence.sel $0x180000  }
0x1ac: {  	[bflag:$0x0] =	sbarrier.arrive $0xFFFF  }
0x1ad: {  	p0 =	sne.s32 s2, $0x0;
	_ =	strace $0x90000047  }
0x1ae: {  	s0 =	sadd.s32 @!p0 $0x100000, s0;
	[bflag:$0x2] =	sbarrier.arrive $0xFFFF  }
0x1af: {  	[sflag:s0] =	ssyncadd.tile.s32 @!p0 $0x1;
	_ =	shalt  }
.Lfunc_end2:
_tile_overlayer_lowered:
.L_overlay_start_2:
0x1b0: {  	(tag) =	ssettag $0x2  }
0x1b1: {  	s0 =	rddreg [dreg:$0x0];
	s2 =	stileid.u32  }
0x1b2: {  	s1 =	rddreg [dreg:$0x1];
	p0 =	sne.s32 s2, $0x0  }
0x1b3: {  	s3 =	rddreg [dreg:$0x2];
	[bflag:$0x3] =	sbarrier.arrive $0xFFFF;
	s2 =	simm.s32 @!p0 $0x1C01  }
0x1b4: {  	[timem:s3], [sflag:s2] =	dma.local @!p0 [hbm:s0], s1  }
0x1b5: {  	s0 =	simm.s32 @!p0 $0x1  }
0x1b6: {  	_ =	swait.ge @!p0 [sflag:s0], s1  }
0x1b7: {  	s1 =	ssub.s32 @!p0 $0x0, s1;
	[sflag:s0] =	ssyncset.done @!p0 $0x0  }
0x1b8: {  	[sflag:s0] =	ssyncadd.s32 @!p0 s1  }
0x1b9: {  	[bflag:$0x3] =	sbarrier.arrive $0xFFFF  }
0x1ba: {  	_ =	shalt  }

</sc_bundles>
